<compile_context>
chip_gen: v7x
topology: tpu7x:2x2x1
jax: 0.10.2.dev20260603
libtpu: 0.0.44.dev20260713+nightly
codegen_flags: <defaults>
</compile_context>

<pallas_src>
import functools

import jax
import jax.numpy as jnp
from jax import lax
from jax.experimental import pallas as pl
from jax.experimental.pallas import tpu as pltpu
from jax.experimental.pallas import tpu_sc as plsc

_BLOCK = 128
_NBUF = 4


@functools.lru_cache(maxsize=None)
def _make_sc_lookup(num_rows, num_times, dim):
    info = plsc.get_sparse_core_info()
    nw = info.num_cores * info.num_subcores
    assert num_rows % (nw * _BLOCK) == 0
    n_blocks = num_rows // _BLOCK
    bpw = n_blocks // nw
    assert bpw % _NBUF == 0
    mesh = plsc.VectorSubcoreMesh(core_axis_name="c", subcore_axis_name="s")

    @functools.partial(
        pl.kernel,
        out_type=jax.ShapeDtypeStruct((num_rows, dim), jnp.float32),
        mesh=mesh,
        scratch_types=[
            pltpu.VMEM((bpw, _BLOCK), jnp.int32),
            pltpu.VMEM((bpw, _BLOCK), jnp.int32),
            pltpu.VMEM((_NBUF, _BLOCK, dim), jnp.float32),
            pltpu.VMEM_SHARED((num_times, dim), jnp.float32),
            pltpu.SemaphoreType.DMA((_NBUF,)),
            pltpu.SemaphoreType.DMA((_NBUF,)),
            pltpu.SemaphoreType.DMA((_NBUF,)),
        ],
        compiler_params=pltpu.CompilerParams(use_tc_tiling_on_sc=False,
                                             needs_layout_passes=False),
    )
    def sc_lookup(idx_hbm, hour_hbm, item_hbm, time_hbm, out_hbm,
                  idx_v, hour_v, rows_v, time_s, sem_i, sem_t, sem_w):
        wid = lax.axis_index("s") * info.num_cores + lax.axis_index("c")
        base_blk = wid * bpw
        pltpu.sync_copy(idx_hbm.at[pl.ds(base_blk, bpw)], idx_v)
        pltpu.sync_copy(hour_hbm.at[pl.ds(base_blk, bpw)], hour_v)
        pltpu.sync_copy(time_hbm, time_s)

        def i_copy(j, b):
            return pltpu.make_async_copy(
                item_hbm.at[idx_v.at[j]], rows_v.at[b], sem_i.at[b])

        def t_copy(j, b):
            return pltpu.make_async_copy(
                time_s.at[hour_v.at[j]], rows_v.at[b], sem_t.at[b])

        def w_copy(j, b):
            return pltpu.make_async_copy(
                rows_v.at[b],
                out_hbm.at[pl.ds((base_blk + j) * _BLOCK, _BLOCK)],
                sem_w.at[b])

        def group(g, carry):
            for b in range(_NBUF):
                j = g * _NBUF + b

                @pl.when(j < bpw)
                def _i():
                    @pl.when(j >= _NBUF)
                    def _():
                        w_copy(j - _NBUF, b).wait()
                    i_copy(j, b).start()

                jt, bt = j - 1, (b - 1) % _NBUF

                @pl.when(jnp.logical_and(jt >= 0, jt < bpw))
                def _t():
                    i_copy(jt, bt).wait()
                    pltpu.async_copy(time_s.at[hour_v.at[jt]],
                                     rows_v.at[bt], sem_t.at[bt], add=True)

                jw, bw = j - 2, (b - 2) % _NBUF

                @pl.when(jnp.logical_and(jw >= 0, jw < bpw))
                def _w():
                    t_copy(jw, bw).wait()
                    w_copy(jw, bw).start()

            return carry

        lax.fori_loop(0, bpw // _NBUF + 1, group, 0)
        for b in range(_NBUF):
            w_copy(bpw - _NBUF + b, b).wait()

    return sc_lookup


def kernel(item_ids, hour_of_day, item_table, time_table):
    batch, hist = item_ids.shape
    num_rows = batch * hist
    dim = item_table.shape[1]
    idx2 = item_ids.reshape(num_rows // _BLOCK, _BLOCK).astype(jnp.int32)
    hour2 = hour_of_day.reshape(num_rows // _BLOCK, _BLOCK).astype(jnp.int32)
    fn = _make_sc_lookup(num_rows, time_table.shape[0], dim)
    out = fn(idx2, hour2, item_table, time_table)
    return out.reshape(batch, hist, dim)

# --- scband reference (transcript-rebuilt; emitter-appended) ---
"""Pipeline reference for scband-time-aware-embedding-73916387164413 (READ-ONLY COPY).

The authoritative reference and input builder live on the scoring server;
editing this copy changes nothing except your own understanding.
"""

import jax, jax.numpy as jnp
import numpy as np

NUM_ITEMS = 1000000
EMBED_DIM = 64
TIME_DIM = 64
NUM_TIMES = 24 * 7
BATCH = 16384
HIST = 50


def setup_inputs(seed: int = 0) -> dict:
    key = jax.random.key(seed)
    k1, k2, k3, k4 = jax.random.split(key, 4)
    item_ids = jax.random.randint(k1, (BATCH, HIST), 0, NUM_ITEMS, dtype=jnp.int64 if jax.config.jax_enable_x64 else jnp.int32)
    hour_of_day = jax.random.randint(k2, (BATCH, HIST), 0, NUM_TIMES, dtype=jnp.int64 if jax.config.jax_enable_x64 else jnp.int32)
    item_table = jax.random.normal(k3, (NUM_ITEMS, EMBED_DIM), dtype=jnp.float32)
    time_table = jax.random.normal(k4, (NUM_TIMES, TIME_DIM), dtype=jnp.float32)
    return {
        "item_ids": item_ids,
        "hour_of_day": hour_of_day,
        "item_table": item_table,
        "time_table": time_table,
    }


def reference(item_ids, hour_of_day, item_table, time_table):
    item_embeddings = jnp.take(item_table, item_ids, axis=0)
    time_embeddings = jnp.take(time_table, hour_of_day, axis=0)
    embeddings = item_embeddings + time_embeddings
    return embeddings

if __name__ == "__main__":
    import jax
    _d = setup_inputs()
    print(jax.jit(kernel)(*tuple(_d.values())))

</pallas_src>

<mosaic_0001>
#map = affine_map<(d0, d1) -> (0, 0)>
module attributes {stable_mosaic.version = 14 : i64} {
  func.func @sc_lookup(%arg0: i32, %arg1: i32, %arg2: memref<6400x128xi32, #tpu.memory_space<hbm>>, %arg3: memref<6400x128xi32, #tpu.memory_space<hbm>>, %arg4: memref<1000000x64xf32, #tpu.memory_space<hbm>>, %arg5: memref<168x64xf32, #tpu.memory_space<hbm>>, %arg6: memref<819200x64xf32, #tpu.memory_space<hbm>>, %arg7: memref<200x128xi32, #tpu.memory_space<vmem>>, %arg8: memref<200x128xi32, #tpu.memory_space<vmem>>, %arg9: memref<4x128x64xf32, #tpu.memory_space<vmem>>, %arg10: memref<168x64xf32, #tpu.memory_space<vmem_shared>>, %arg11: memref<4x!tpu.dma_semaphore, #tpu.memory_space<semaphore_mem>>, %arg12: memref<4x!tpu.dma_semaphore, #tpu.memory_space<semaphore_mem>>, %arg13: memref<4x!tpu.dma_semaphore, #tpu.memory_space<semaphore_mem>>) attributes {dimension_semantics = [#tpu.dimension_semantics<core_parallel>, #tpu.dimension_semantics<subcore_parallel>], iteration_bounds = array<i64: 2, 16>, scalar_prefetch = 0 : i64, scratch_operands = 7 : i64, tpu.core_type = #tpu.core_type<sc_vector_subcore>, window_params = [{transform_indices = #map}, {transform_indices = #map}, {transform_indices = #map}, {transform_indices = #map}, {transform_indices = #map}]} {
    %mul3A = arith.constant 2 : i32
    %mul3A_0 = arith.muli %arg1, %mul3A : i32
    %add3A = arith.addi %mul3A_0, %arg0 : i32
    %mul3A_1 = arith.constant 200 : i32
    %mul3A_2 = arith.muli %add3A, %mul3A_1 : i32
    "tpu.region"() ({
      %run_scoped3A = tpu.sem_alloc : memref<!tpu.dma_semaphore, #tpu.memory_space<semaphore_mem>>
      %dma_start3A = arith.constant 0 : i32
      %dma_start3A_87 = tpu.memref_slice %arg2[%mul3A_2, %dma_start3A] : memref<6400x128xi32, #tpu.memory_space<hbm>> -> memref<200x128xi32, #tpu.memory_space<hbm>>
      %dma_start3A_88 = arith.constant 0 : i32
      %dma_start3A_89 = tpu.memref_slice %arg2[%mul3A_2, %dma_start3A_88] : memref<6400x128xi32, #tpu.memory_space<hbm>> -> memref<200x128xi32, #tpu.memory_space<hbm>>
      tpu.enqueue_dma source(%dma_start3A_89 : memref<200x128xi32, #tpu.memory_space<hbm>>) target(%arg7 : memref<200x128xi32, #tpu.memory_space<vmem>>) target_semaphore(%run_scoped3A : memref<!tpu.dma_semaphore, #tpu.memory_space<semaphore_mem>>)
      %dma_wait3A_90 = arith.constant 0 : i32
      %dma_wait3A_91 = tpu.memref_slice %arg2[%mul3A_2, %dma_wait3A_90] : memref<6400x128xi32, #tpu.memory_space<hbm>> -> memref<200x128xi32, #tpu.memory_space<hbm>>
      %dma_wait3A_92 = arith.constant 0 : i32
      %dma_wait3A_93 = tpu.memref_slice %arg2[%mul3A_2, %dma_wait3A_92] : memref<6400x128xi32, #tpu.memory_space<hbm>> -> memref<200x128xi32, #tpu.memory_space<hbm>>
      tpu.wait_dma2 semaphore(%run_scoped3A : memref<!tpu.dma_semaphore, #tpu.memory_space<semaphore_mem>>) src(%dma_wait3A_93 : memref<200x128xi32, #tpu.memory_space<hbm>>) dst(%arg7 : memref<200x128xi32, #tpu.memory_space<vmem>>)
      tpu.yield
    }) : () -> ()
    "tpu.region"() ({
      %run_scoped3A = tpu.sem_alloc : memref<!tpu.dma_semaphore, #tpu.memory_space<semaphore_mem>>
      %dma_start3A = arith.constant 0 : i32
      %dma_start3A_87 = tpu.memref_slice %arg3[%mul3A_2, %dma_start3A] : memref<6400x128xi32, #tpu.memory_space<hbm>> -> memref<200x128xi32, #tpu.memory_space<hbm>>
      %dma_start3A_88 = arith.constant 0 : i32
      %dma_start3A_89 = tpu.memref_slice %arg3[%mul3A_2, %dma_start3A_88] : memref<6400x128xi32, #tpu.memory_space<hbm>> -> memref<200x128xi32, #tpu.memory_space<hbm>>
      tpu.enqueue_dma source(%dma_start3A_89 : memref<200x128xi32, #tpu.memory_space<hbm>>) target(%arg8 : memref<200x128xi32, #tpu.memory_space<vmem>>) target_semaphore(%run_scoped3A : memref<!tpu.dma_semaphore, #tpu.memory_space<semaphore_mem>>)
      %dma_wait3A_90 = arith.constant 0 : i32
      %dma_wait3A_91 = tpu.memref_slice %arg3[%mul3A_2, %dma_wait3A_90] : memref<6400x128xi32, #tpu.memory_space<hbm>> -> memref<200x128xi32, #tpu.memory_space<hbm>>
      %dma_wait3A_92 = arith.constant 0 : i32
      %dma_wait3A_93 = tpu.memref_slice %arg3[%mul3A_2, %dma_wait3A_92] : memref<6400x128xi32, #tpu.memory_space<hbm>> -> memref<200x128xi32, #tpu.memory_space<hbm>>
      tpu.wait_dma2 semaphore(%run_scoped3A : memref<!tpu.dma_semaphore, #tpu.memory_space<semaphore_mem>>) src(%dma_wait3A_93 : memref<200x128xi32, #tpu.memory_space<hbm>>) dst(%arg8 : memref<200x128xi32, #tpu.memory_space<vmem>>)
      tpu.yield
    }) : () -> ()
    "tpu.region"() ({
      %run_scoped3A = tpu.sem_alloc : memref<!tpu.dma_semaphore, #tpu.memory_space<semaphore_mem>>
      tpu.enqueue_dma source(%arg5 : memref<168x64xf32, #tpu.memory_space<hbm>>) target(%arg10 : memref<168x64xf32, #tpu.memory_space<vmem_shared>>) target_semaphore(%run_scoped3A : memref<!tpu.dma_semaphore, #tpu.memory_space<semaphore_mem>>)
      tpu.wait_dma2 semaphore(%run_scoped3A : memref<!tpu.dma_semaphore, #tpu.memory_space<semaphore_mem>>) src(%arg5 : memref<168x64xf32, #tpu.memory_space<hbm>>) dst(%arg10 : memref<168x64xf32, #tpu.memory_space<vmem_shared>>)
      tpu.yield
    }) : () -> ()
    %scan3A = arith.constant 0 : i32
    %scan3A_3 = arith.constant 0 : i32
    %scan3A_4 = arith.constant 51 : i32
    %scan3A_5 = arith.addi %scan3A_3, %scan3A_4 : i32
    %scan3A_6 = arith.constant 1 : i32
    scf.for %scan3A_87 = %scan3A_3 to %scan3A_5 step %scan3A_6  : i32 {
      %mul3A_88 = arith.constant 4 : i32
      %mul3A_89 = arith.muli %scan3A_87, %mul3A_88 : i32
      %add3A_90 = arith.constant 0 : i32
      %add3A_91 = arith.addi %mul3A_89, %add3A_90 : i32
      %lt3A = arith.constant 200 : i32
      %lt3A_92 = arith.cmpi slt, %add3A_91, %lt3A : i32
      %convert_element_type3A = arith.extui %lt3A_92 : i1 to i32
      %cond3A = arith.constant 0 : i32
      %cond3A_93 = arith.cmpi ne, %convert_element_type3A, %cond3A : i32
      scf.if %cond3A_93 {
        %ge3A_198 = arith.constant 4 : i32
        %ge3A_199 = arith.cmpi sge, %add3A_91, %ge3A_198 : i32
        %convert_element_type3A_200 = arith.extui %ge3A_199 : i1 to i32
        %cond3A_201 = arith.constant 0 : i32
        %cond3A_202 = arith.cmpi ne, %convert_element_type3A_200, %cond3A_201 : i32
        scf.if %cond3A_202 {
          %sub3A_216 = arith.constant 4 : i32
          %sub3A_217 = arith.subi %add3A_91, %sub3A_216 : i32
          %add3A_218 = arith.addi %mul3A_2, %sub3A_217 : i32
          %mul3A_219 = arith.constant 128 : i32
          %mul3A_220 = arith.muli %add3A_218, %mul3A_219 : i32
          %dma_wait3A_221 = arith.constant 0 : i32
          %dma_wait3A_222 = arith.constant 0 : i32
          %dma_wait3A_223 = arith.constant 0 : i32
          %dma_wait3A_224 = arith.constant 0 : i32
          %dma_wait3A_225 = tpu.memref_slice %arg9[%dma_wait3A_221, %dma_wait3A_223, %dma_wait3A_224] : memref<4x128x64xf32, #tpu.memory_space<vmem>> -> memref<1x128x64xf32, #tpu.memory_space<vmem>>
          %dma_wait3A_226 = tpu.memref_squeeze %dma_wait3A_225 : memref<1x128x64xf32, #tpu.memory_space<vmem>> -> memref<128x64xf32, #tpu.memory_space<vmem>>
          %dma_wait3A_227 = arith.constant 0 : i32
          %dma_wait3A_228 = tpu.memref_slice %arg6[%mul3A_220, %dma_wait3A_227] : memref<819200x64xf32, #tpu.memory_space<hbm>> -> memref<128x64xf32, #tpu.memory_space<hbm>>
          %dma_wait3A_229 = tpu.memref_slice %arg13[%dma_wait3A_222] : memref<4x!tpu.dma_semaphore, #tpu.memory_space<semaphore_mem>> -> memref<1x!tpu.dma_semaphore, #tpu.memory_space<semaphore_mem>>
          %dma_wait3A_230 = tpu.memref_squeeze %dma_wait3A_229 : memref<1x!tpu.dma_semaphore, #tpu.memory_space<semaphore_mem>> -> memref<!tpu.dma_semaphore, #tpu.memory_space<semaphore_mem>>
          %dma_wait3A_231 = arith.constant 0 : i32
          %dma_wait3A_232 = tpu.memref_slice %arg6[%mul3A_220, %dma_wait3A_231] : memref<819200x64xf32, #tpu.memory_space<hbm>> -> memref<128x64xf32, #tpu.memory_space<hbm>>
          %dma_wait3A_233 = arith.constant 0 : i32
          %dma_wait3A_234 = arith.constant 0 : i32
          %dma_wait3A_235 = tpu.memref_slice %arg9[%dma_wait3A_221, %dma_wait3A_233, %dma_wait3A_234] : memref<4x128x64xf32, #tpu.memory_space<vmem>> -> memref<1x128x64xf32, #tpu.memory_space<vmem>>
          %dma_wait3A_236 = tpu.memref_squeeze %dma_wait3A_235 : memref<1x128x64xf32, #tpu.memory_space<vmem>> -> memref<128x64xf32, #tpu.memory_space<vmem>>
          tpu.wait_dma2 semaphore(%dma_wait3A_230 : memref<!tpu.dma_semaphore, #tpu.memory_space<semaphore_mem>>) src(%dma_wait3A_236 : memref<128x64xf32, #tpu.memory_space<vmem>>) dst(%dma_wait3A_232 : memref<128x64xf32, #tpu.memory_space<hbm>>)
        } else {
        }
        %dma_start3A = arith.constant 0 : i32
        %dma_start3A_203 = arith.constant 0 : i32
        %dma_start3A_204 = arith.constant 0 : i32
        %dma_start3A_205 = arith.constant 0 : i32
        %dma_start3A_206 = tpu.memref_slice %arg9[%dma_start3A, %dma_start3A_204, %dma_start3A_205] : memref<4x128x64xf32, #tpu.memory_space<vmem>> -> memref<1x128x64xf32, #tpu.memory_space<vmem>>
        %dma_start3A_207 = tpu.memref_squeeze %dma_start3A_206 : memref<1x128x64xf32, #tpu.memory_space<vmem>> -> memref<128x64xf32, #tpu.memory_space<vmem>>
        %dma_start3A_208 = arith.constant 0 : i32
        %dma_start3A_209 = tpu.memref_slice %arg7[%add3A_91, %dma_start3A_208] : memref<200x128xi32, #tpu.memory_space<vmem>> -> memref<1x128xi32, #tpu.memory_space<vmem>>
        %dma_start3A_210 = tpu.memref_squeeze %dma_start3A_209 : memref<1x128xi32, #tpu.memory_space<vmem>> -> memref<128xi32, #tpu.memory_space<vmem>>
        %dma_start3A_211 = arith.constant 0 : i32
        %dma_start3A_212 = arith.constant 0 : i32
        %dma_start3A_213 = tpu.memref_slice %arg4[%dma_start3A_211, %dma_start3A_212] : memref<1000000x64xf32, #tpu.memory_space<hbm>> -> memref<1000000x64xf32, #tpu.memory_space<hbm>>
        %dma_start3A_214 = tpu.memref_slice %arg11[%dma_start3A_203] : memref<4x!tpu.dma_semaphore, #tpu.memory_space<semaphore_mem>> -> memref<1x!tpu.dma_semaphore, #tpu.memory_space<semaphore_mem>>
        %dma_start3A_215 = tpu.memref_squeeze %dma_start3A_214 : memref<1x!tpu.dma_semaphore, #tpu.memory_space<semaphore_mem>> -> memref<!tpu.dma_semaphore, #tpu.memory_space<semaphore_mem>>
        tpu.enqueue_indirect_dma source(%dma_start3A_213 : memref<1000000x64xf32, #tpu.memory_space<hbm>>) target(%dma_start3A_207 : memref<128x64xf32, #tpu.memory_space<vmem>>) offsets(%dma_start3A_210 : memref<128xi32, #tpu.memory_space<vmem>>) semaphore(%dma_start3A_215 : memref<!tpu.dma_semaphore, #tpu.memory_space<semaphore_mem>>)
      } else {
      }
      %sub3A = arith.constant 1 : i32
      %sub3A_94 = arith.subi %add3A_91, %sub3A : i32
      %ge3A = arith.constant 0 : i32
      %ge3A_95 = arith.cmpi sge, %sub3A_94, %ge3A : i32
      %lt3A_96 = arith.constant 200 : i32
      %lt3A_97 = arith.cmpi slt, %sub3A_94, %lt3A_96 : i32
      %and3A = arith.andi %ge3A_95, %lt3A_97 : i1
      %convert_element_type3A_98 = arith.extui %and3A : i1 to i32
      %cond3A_99 = arith.constant 0 : i32
      %cond3A_100 = arith.cmpi ne, %convert_element_type3A_98, %cond3A_99 : i32
      scf.if %cond3A_100 {
        %dma_wait3A_198 = arith.constant 3 : i32
        %dma_wait3A_199 = arith.constant 3 : i32
        %dma_wait3A_200 = arith.constant 0 : i32
        %dma_wait3A_201 = arith.constant 0 : i32
        %dma_wait3A_202 = tpu.memref_slice %arg9[%dma_wait3A_198, %dma_wait3A_200, %dma_wait3A_201] : memref<4x128x64xf32, #tpu.memory_space<vmem>> -> memref<1x128x64xf32, #tpu.memory_space<vmem>>
        %dma_wait3A_203 = tpu.memref_squeeze %dma_wait3A_202 : memref<1x128x64xf32, #tpu.memory_space<vmem>> -> memref<128x64xf32, #tpu.memory_space<vmem>>
        %dma_wait3A_204 = arith.constant 0 : i32
        %dma_wait3A_205 = tpu.memref_slice %arg7[%sub3A_94, %dma_wait3A_204] : memref<200x128xi32, #tpu.memory_space<vmem>> -> memref<1x128xi32, #tpu.memory_space<vmem>>
        %dma_wait3A_206 = tpu.memref_squeeze %dma_wait3A_205 : memref<1x128xi32, #tpu.memory_space<vmem>> -> memref<128xi32, #tpu.memory_space<vmem>>
        %dma_wait3A_207 = arith.constant 0 : i32
        %dma_wait3A_208 = arith.constant 0 : i32
        %dma_wait3A_209 = tpu.memref_slice %arg4[%dma_wait3A_207, %dma_wait3A_208] : memref<1000000x64xf32, #tpu.memory_space<hbm>> -> memref<1000000x64xf32, #tpu.memory_space<hbm>>
        %dma_wait3A_210 = tpu.memref_slice %arg11[%dma_wait3A_199] : memref<4x!tpu.dma_semaphore, #tpu.memory_space<semaphore_mem>> -> memref<1x!tpu.dma_semaphore, #tpu.memory_space<semaphore_mem>>
        %dma_wait3A_211 = tpu.memref_squeeze %dma_wait3A_210 : memref<1x!tpu.dma_semaphore, #tpu.memory_space<semaphore_mem>> -> memref<!tpu.dma_semaphore, #tpu.memory_space<semaphore_mem>>
        tpu.wait_indirect_dma semaphore(%dma_wait3A_211 : memref<!tpu.dma_semaphore, #tpu.memory_space<semaphore_mem>>) src(%dma_wait3A_209 : memref<1000000x64xf32, #tpu.memory_space<hbm>>) dst(%dma_wait3A_203 : memref<128x64xf32, #tpu.memory_space<vmem>>)
        %dma_start3A = arith.constant 3 : i32
        %dma_start3A_212 = arith.constant 3 : i32
        %dma_start3A_213 = arith.constant 0 : i32
        %dma_start3A_214 = arith.constant 0 : i32
        %dma_start3A_215 = tpu.memref_slice %arg9[%dma_start3A, %dma_start3A_213, %dma_start3A_214] : memref<4x128x64xf32, #tpu.memory_space<vmem>> -> memref<1x128x64xf32, #tpu.memory_space<vmem>>
        %dma_start3A_216 = tpu.memref_squeeze %dma_start3A_215 : memref<1x128x64xf32, #tpu.memory_space<vmem>> -> memref<128x64xf32, #tpu.memory_space<vmem>>
        %dma_start3A_217 = arith.constant 0 : i32
        %dma_start3A_218 = tpu.memref_slice %arg8[%sub3A_94, %dma_start3A_217] : memref<200x128xi32, #tpu.memory_space<vmem>> -> memref<1x128xi32, #tpu.memory_space<vmem>>
        %dma_start3A_219 = tpu.memref_squeeze %dma_start3A_218 : memref<1x128xi32, #tpu.memory_space<vmem>> -> memref<128xi32, #tpu.memory_space<vmem>>
        %dma_start3A_220 = arith.constant 0 : i32
        %dma_start3A_221 = arith.constant 0 : i32
        %dma_start3A_222 = tpu.memref_slice %arg10[%dma_start3A_220, %dma_start3A_221] : memref<168x64xf32, #tpu.memory_space<vmem_shared>> -> memref<168x64xf32, #tpu.memory_space<vmem_shared>>
        %dma_start3A_223 = tpu.memref_slice %arg12[%dma_start3A_212] : memref<4x!tpu.dma_semaphore, #tpu.memory_space<semaphore_mem>> -> memref<1x!tpu.dma_semaphore, #tpu.memory_space<semaphore_mem>>
        %dma_start3A_224 = tpu.memref_squeeze %dma_start3A_223 : memref<1x!tpu.dma_semaphore, #tpu.memory_space<semaphore_mem>> -> memref<!tpu.dma_semaphore, #tpu.memory_space<semaphore_mem>>
        tpu.enqueue_indirect_dma source(%dma_start3A_222 : memref<168x64xf32, #tpu.memory_space<vmem_shared>>) target(%dma_start3A_216 : memref<128x64xf32, #tpu.memory_space<vmem>>) offsets(%dma_start3A_219 : memref<128xi32, #tpu.memory_space<vmem>>) semaphore(%dma_start3A_224 : memref<!tpu.dma_semaphore, #tpu.memory_space<semaphore_mem>>) {add = true}
      } else {
      }
      %sub3A_101 = arith.constant 2 : i32
      %sub3A_102 = arith.subi %add3A_91, %sub3A_101 : i32
      %ge3A_103 = arith.constant 0 : i32
      %ge3A_104 = arith.cmpi sge, %sub3A_102, %ge3A_103 : i32
      %lt3A_105 = arith.constant 200 : i32
      %lt3A_106 = arith.cmpi slt, %sub3A_102, %lt3A_105 : i32
      %and3A_107 = arith.andi %ge3A_104, %lt3A_106 : i1
      %convert_element_type3A_108 = arith.extui %and3A_107 : i1 to i32
      %cond3A_109 = arith.constant 0 : i32
      %cond3A_110 = arith.cmpi ne, %convert_element_type3A_108, %cond3A_109 : i32
      scf.if %cond3A_110 {
        %dma_wait3A_198 = arith.constant 2 : i32
        %dma_wait3A_199 = arith.constant 2 : i32
        %dma_wait3A_200 = arith.constant 0 : i32
        %dma_wait3A_201 = arith.constant 0 : i32
        %dma_wait3A_202 = tpu.memref_slice %arg9[%dma_wait3A_198, %dma_wait3A_200, %dma_wait3A_201] : memref<4x128x64xf32, #tpu.memory_space<vmem>> -> memref<1x128x64xf32, #tpu.memory_space<vmem>>
        %dma_wait3A_203 = tpu.memref_squeeze %dma_wait3A_202 : memref<1x128x64xf32, #tpu.memory_space<vmem>> -> memref<128x64xf32, #tpu.memory_space<vmem>>
        %dma_wait3A_204 = arith.constant 0 : i32
        %dma_wait3A_205 = tpu.memref_slice %arg8[%sub3A_102, %dma_wait3A_204] : memref<200x128xi32, #tpu.memory_space<vmem>> -> memref<1x128xi32, #tpu.memory_space<vmem>>
        %dma_wait3A_206 = tpu.memref_squeeze %dma_wait3A_205 : memref<1x128xi32, #tpu.memory_space<vmem>> -> memref<128xi32, #tpu.memory_space<vmem>>
        %dma_wait3A_207 = arith.constant 0 : i32
        %dma_wait3A_208 = arith.constant 0 : i32
        %dma_wait3A_209 = tpu.memref_slice %arg10[%dma_wait3A_207, %dma_wait3A_208] : memref<168x64xf32, #tpu.memory_space<vmem_shared>> -> memref<168x64xf32, #tpu.memory_space<vmem_shared>>
        %dma_wait3A_210 = tpu.memref_slice %arg12[%dma_wait3A_199] : memref<4x!tpu.dma_semaphore, #tpu.memory_space<semaphore_mem>> -> memref<1x!tpu.dma_semaphore, #tpu.memory_space<semaphore_mem>>
        %dma_wait3A_211 = tpu.memref_squeeze %dma_wait3A_210 : memref<1x!tpu.dma_semaphore, #tpu.memory_space<semaphore_mem>> -> memref<!tpu.dma_semaphore, #tpu.memory_space<semaphore_mem>>
        tpu.wait_indirect_dma semaphore(%dma_wait3A_211 : memref<!tpu.dma_semaphore, #tpu.memory_space<semaphore_mem>>) src(%dma_wait3A_209 : memref<168x64xf32, #tpu.memory_space<vmem_shared>>) dst(%dma_wait3A_203 : memref<128x64xf32, #tpu.memory_space<vmem>>)
        %add3A_212 = arith.addi %mul3A_2, %sub3A_102 : i32
        %mul3A_213 = arith.constant 128 : i32
        %mul3A_214 = arith.muli %add3A_212, %mul3A_213 : i32
        %dma_start3A = arith.constant 2 : i32
        %dma_start3A_215 = arith.constant 2 : i32
        %dma_start3A_216 = arith.constant 0 : i32
        %dma_start3A_217 = arith.constant 0 : i32
        %dma_start3A_218 = tpu.memref_slice %arg9[%dma_start3A, %dma_start3A_216, %dma_start3A_217] : memref<4x128x64xf32, #tpu.memory_space<vmem>> -> memref<1x128x64xf32, #tpu.memory_space<vmem>>
        %dma_start3A_219 = tpu.memref_squeeze %dma_start3A_218 : memref<1x128x64xf32, #tpu.memory_space<vmem>> -> memref<128x64xf32, #tpu.memory_space<vmem>>
        %dma_start3A_220 = arith.constant 0 : i32
        %dma_start3A_221 = tpu.memref_slice %arg6[%mul3A_214, %dma_start3A_220] : memref<819200x64xf32, #tpu.memory_space<hbm>> -> memref<128x64xf32, #tpu.memory_space<hbm>>
        %dma_start3A_222 = tpu.memref_slice %arg13[%dma_start3A_215] : memref<4x!tpu.dma_semaphore, #tpu.memory_space<semaphore_mem>> -> memref<1x!tpu.dma_semaphore, #tpu.memory_space<semaphore_mem>>
        %dma_start3A_223 = tpu.memref_squeeze %dma_start3A_222 : memref<1x!tpu.dma_semaphore, #tpu.memory_space<semaphore_mem>> -> memref<!tpu.dma_semaphore, #tpu.memory_space<semaphore_mem>>
        %dma_start3A_224 = arith.constant 0 : i32
        %dma_start3A_225 = tpu.memref_slice %arg6[%mul3A_214, %dma_start3A_224] : memref<819200x64xf32, #tpu.memory_space<hbm>> -> memref<128x64xf32, #tpu.memory_space<hbm>>
        %dma_start3A_226 = arith.constant 0 : i32
        %dma_start3A_227 = arith.constant 0 : i32
        %dma_start3A_228 = tpu.memref_slice %arg9[%dma_start3A, %dma_start3A_226, %dma_start3A_227] : memref<4x128x64xf32, #tpu.memory_space<vmem>> -> memref<1x128x64xf32, #tpu.memory_space<vmem>>
        %dma_start3A_229 = tpu.memref_squeeze %dma_start3A_228 : memref<1x128x64xf32, #tpu.memory_space<vmem>> -> memref<128x64xf32, #tpu.memory_space<vmem>>
        tpu.enqueue_dma source(%dma_start3A_229 : memref<128x64xf32, #tpu.memory_space<vmem>>) target(%dma_start3A_225 : memref<128x64xf32, #tpu.memory_space<hbm>>) target_semaphore(%dma_start3A_223 : memref<!tpu.dma_semaphore, #tpu.memory_space<semaphore_mem>>)
      } else {
      }
      %mul3A_111 = arith.constant 4 : i32
      %mul3A_112 = arith.muli %scan3A_87, %mul3A_111 : i32
      %add3A_113 = arith.constant 1 : i32
      %add3A_114 = arith.addi %mul3A_112, %add3A_113 : i32
      %lt3A_115 = arith.constant 200 : i32
      %lt3A_116 = arith.cmpi slt, %add3A_114, %lt3A_115 : i32
      %convert_element_type3A_117 = arith.extui %lt3A_116 : i1 to i32
      %cond3A_118 = arith.constant 0 : i32
      %cond3A_119 = arith.cmpi ne, %convert_element_type3A_117, %cond3A_118 : i32
      scf.if %cond3A_119 {
        %ge3A_198 = arith.constant 4 : i32
        %ge3A_199 = arith.cmpi sge, %add3A_114, %ge3A_198 : i32
        %convert_element_type3A_200 = arith.extui %ge3A_199 : i1 to i32
        %cond3A_201 = arith.constant 0 : i32
        %cond3A_202 = arith.cmpi ne, %convert_element_type3A_200, %cond3A_201 : i32
        scf.if %cond3A_202 {
          %sub3A_216 = arith.constant 4 : i32
          %sub3A_217 = arith.subi %add3A_114, %sub3A_216 : i32
          %add3A_218 = arith.addi %mul3A_2, %sub3A_217 : i32
          %mul3A_219 = arith.constant 128 : i32
          %mul3A_220 = arith.muli %add3A_218, %mul3A_219 : i32
          %dma_wait3A_221 = arith.constant 1 : i32
          %dma_wait3A_222 = arith.constant 1 : i32
          %dma_wait3A_223 = arith.constant 0 : i32
          %dma_wait3A_224 = arith.constant 0 : i32
          %dma_wait3A_225 = tpu.memref_slice %arg9[%dma_wait3A_221, %dma_wait3A_223, %dma_wait3A_224] : memref<4x128x64xf32, #tpu.memory_space<vmem>> -> memref<1x128x64xf32, #tpu.memory_space<vmem>>
          %dma_wait3A_226 = tpu.memref_squeeze %dma_wait3A_225 : memref<1x128x64xf32, #tpu.memory_space<vmem>> -> memref<128x64xf32, #tpu.memory_space<vmem>>
          %dma_wait3A_227 = arith.constant 0 : i32
          %dma_wait3A_228 = tpu.memref_slice %arg6[%mul3A_220, %dma_wait3A_227] : memref<819200x64xf32, #tpu.memory_space<hbm>> -> memref<128x64xf32, #tpu.memory_space<hbm>>
          %dma_wait3A_229 = tpu.memref_slice %arg13[%dma_wait3A_222] : memref<4x!tpu.dma_semaphore, #tpu.memory_space<semaphore_mem>> -> memref<1x!tpu.dma_semaphore, #tpu.memory_space<semaphore_mem>>
          %dma_wait3A_230 = tpu.memref_squeeze %dma_wait3A_229 : memref<1x!tpu.dma_semaphore, #tpu.memory_space<semaphore_mem>> -> memref<!tpu.dma_semaphore, #tpu.memory_space<semaphore_mem>>
          %dma_wait3A_231 = arith.constant 0 : i32
          %dma_wait3A_232 = tpu.memref_slice %arg6[%mul3A_220, %dma_wait3A_231] : memref<819200x64xf32, #tpu.memory_space<hbm>> -> memref<128x64xf32, #tpu.memory_space<hbm>>
          %dma_wait3A_233 = arith.constant 0 : i32
          %dma_wait3A_234 = arith.constant 0 : i32
          %dma_wait3A_235 = tpu.memref_slice %arg9[%dma_wait3A_221, %dma_wait3A_233, %dma_wait3A_234] : memref<4x128x64xf32, #tpu.memory_space<vmem>> -> memref<1x128x64xf32, #tpu.memory_space<vmem>>
          %dma_wait3A_236 = tpu.memref_squeeze %dma_wait3A_235 : memref<1x128x64xf32, #tpu.memory_space<vmem>> -> memref<128x64xf32, #tpu.memory_space<vmem>>
          tpu.wait_dma2 semaphore(%dma_wait3A_230 : memref<!tpu.dma_semaphore, #tpu.memory_space<semaphore_mem>>) src(%dma_wait3A_236 : memref<128x64xf32, #tpu.memory_space<vmem>>) dst(%dma_wait3A_232 : memref<128x64xf32, #tpu.memory_space<hbm>>)
        } else {
        }
        %dma_start3A = arith.constant 1 : i32
        %dma_start3A_203 = arith.constant 1 : i32
        %dma_start3A_204 = arith.constant 0 : i32
        %dma_start3A_205 = arith.constant 0 : i32
        %dma_start3A_206 = tpu.memref_slice %arg9[%dma_start3A, %dma_start3A_204, %dma_start3A_205] : memref<4x128x64xf32, #tpu.memory_space<vmem>> -> memref<1x128x64xf32, #tpu.memory_space<vmem>>
        %dma_start3A_207 = tpu.memref_squeeze %dma_start3A_206 : memref<1x128x64xf32, #tpu.memory_space<vmem>> -> memref<128x64xf32, #tpu.memory_space<vmem>>
        %dma_start3A_208 = arith.constant 0 : i32
        %dma_start3A_209 = tpu.memref_slice %arg7[%add3A_114, %dma_start3A_208] : memref<200x128xi32, #tpu.memory_space<vmem>> -> memref<1x128xi32, #tpu.memory_space<vmem>>
        %dma_start3A_210 = tpu.memref_squeeze %dma_start3A_209 : memref<1x128xi32, #tpu.memory_space<vmem>> -> memref<128xi32, #tpu.memory_space<vmem>>
        %dma_start3A_211 = arith.constant 0 : i32
        %dma_start3A_212 = arith.constant 0 : i32
        %dma_start3A_213 = tpu.memref_slice %arg4[%dma_start3A_211, %dma_start3A_212] : memref<1000000x64xf32, #tpu.memory_space<hbm>> -> memref<1000000x64xf32, #tpu.memory_space<hbm>>
        %dma_start3A_214 = tpu.memref_slice %arg11[%dma_start3A_203] : memref<4x!tpu.dma_semaphore, #tpu.memory_space<semaphore_mem>> -> memref<1x!tpu.dma_semaphore, #tpu.memory_space<semaphore_mem>>
        %dma_start3A_215 = tpu.memref_squeeze %dma_start3A_214 : memref<1x!tpu.dma_semaphore, #tpu.memory_space<semaphore_mem>> -> memref<!tpu.dma_semaphore, #tpu.memory_space<semaphore_mem>>
        tpu.enqueue_indirect_dma source(%dma_start3A_213 : memref<1000000x64xf32, #tpu.memory_space<hbm>>) target(%dma_start3A_207 : memref<128x64xf32, #tpu.memory_space<vmem>>) offsets(%dma_start3A_210 : memref<128xi32, #tpu.memory_space<vmem>>) semaphore(%dma_start3A_215 : memref<!tpu.dma_semaphore, #tpu.memory_space<semaphore_mem>>)
      } else {
      }
      %sub3A_120 = arith.constant 1 : i32
      %sub3A_121 = arith.subi %add3A_114, %sub3A_120 : i32
      %ge3A_122 = arith.constant 0 : i32
      %ge3A_123 = arith.cmpi sge, %sub3A_121, %ge3A_122 : i32
      %lt3A_124 = arith.constant 200 : i32
      %lt3A_125 = arith.cmpi slt, %sub3A_121, %lt3A_124 : i32
      %and3A_126 = arith.andi %ge3A_123, %lt3A_125 : i1
      %convert_element_type3A_127 = arith.extui %and3A_126 : i1 to i32
      %cond3A_128 = arith.constant 0 : i32
      %cond3A_129 = arith.cmpi ne, %convert_element_type3A_127, %cond3A_128 : i32
      scf.if %cond3A_129 {
        %dma_wait3A_198 = arith.constant 0 : i32
        %dma_wait3A_199 = arith.constant 0 : i32
        %dma_wait3A_200 = arith.constant 0 : i32
        %dma_wait3A_201 = arith.constant 0 : i32
        %dma_wait3A_202 = tpu.memref_slice %arg9[%dma_wait3A_198, %dma_wait3A_200, %dma_wait3A_201] : memref<4x128x64xf32, #tpu.memory_space<vmem>> -> memref<1x128x64xf32, #tpu.memory_space<vmem>>
        %dma_wait3A_203 = tpu.memref_squeeze %dma_wait3A_202 : memref<1x128x64xf32, #tpu.memory_space<vmem>> -> memref<128x64xf32, #tpu.memory_space<vmem>>
        %dma_wait3A_204 = arith.constant 0 : i32
        %dma_wait3A_205 = tpu.memref_slice %arg7[%sub3A_121, %dma_wait3A_204] : memref<200x128xi32, #tpu.memory_space<vmem>> -> memref<1x128xi32, #tpu.memory_space<vmem>>
        %dma_wait3A_206 = tpu.memref_squeeze %dma_wait3A_205 : memref<1x128xi32, #tpu.memory_space<vmem>> -> memref<128xi32, #tpu.memory_space<vmem>>
        %dma_wait3A_207 = arith.constant 0 : i32
        %dma_wait3A_208 = arith.constant 0 : i32
        %dma_wait3A_209 = tpu.memref_slice %arg4[%dma_wait3A_207, %dma_wait3A_208] : memref<1000000x64xf32, #tpu.memory_space<hbm>> -> memref<1000000x64xf32, #tpu.memory_space<hbm>>
        %dma_wait3A_210 = tpu.memref_slice %arg11[%dma_wait3A_199] : memref<4x!tpu.dma_semaphore, #tpu.memory_space<semaphore_mem>> -> memref<1x!tpu.dma_semaphore, #tpu.memory_space<semaphore_mem>>
        %dma_wait3A_211 = tpu.memref_squeeze %dma_wait3A_210 : memref<1x!tpu.dma_semaphore, #tpu.memory_space<semaphore_mem>> -> memref<!tpu.dma_semaphore, #tpu.memory_space<semaphore_mem>>
        tpu.wait_indirect_dma semaphore(%dma_wait3A_211 : memref<!tpu.dma_semaphore, #tpu.memory_space<semaphore_mem>>) src(%dma_wait3A_209 : memref<1000000x64xf32, #tpu.memory_space<hbm>>) dst(%dma_wait3A_203 : memref<128x64xf32, #tpu.memory_space<vmem>>)
        %dma_start3A = arith.constant 0 : i32
        %dma_start3A_212 = arith.constant 0 : i32
        %dma_start3A_213 = arith.constant 0 : i32
        %dma_start3A_214 = arith.constant 0 : i32
        %dma_start3A_215 = tpu.memref_slice %arg9[%dma_start3A, %dma_start3A_213, %dma_start3A_214] : memref<4x128x64xf32, #tpu.memory_space<vmem>> -> memref<1x128x64xf32, #tpu.memory_space<vmem>>
        %dma_start3A_216 = tpu.memref_squeeze %dma_start3A_215 : memref<1x128x64xf32, #tpu.memory_space<vmem>> -> memref<128x64xf32, #tpu.memory_space<vmem>>
        %dma_start3A_217 = arith.constant 0 : i32
        %dma_start3A_218 = tpu.memref_slice %arg8[%sub3A_121, %dma_start3A_217] : memref<200x128xi32, #tpu.memory_space<vmem>> -> memref<1x128xi32, #tpu.memory_space<vmem>>
        %dma_start3A_219 = tpu.memref_squeeze %dma_start3A_218 : memref<1x128xi32, #tpu.memory_space<vmem>> -> memref<128xi32, #tpu.memory_space<vmem>>
        %dma_start3A_220 = arith.constant 0 : i32
        %dma_start3A_221 = arith.constant 0 : i32
        %dma_start3A_222 = tpu.memref_slice %arg10[%dma_start3A_220, %dma_start3A_221] : memref<168x64xf32, #tpu.memory_space<vmem_shared>> -> memref<168x64xf32, #tpu.memory_space<vmem_shared>>
        %dma_start3A_223 = tpu.memref_slice %arg12[%dma_start3A_212] : memref<4x!tpu.dma_semaphore, #tpu.memory_space<semaphore_mem>> -> memref<1x!tpu.dma_semaphore, #tpu.memory_space<semaphore_mem>>
        %dma_start3A_224 = tpu.memref_squeeze %dma_start3A_223 : memref<1x!tpu.dma_semaphore, #tpu.memory_space<semaphore_mem>> -> memref<!tpu.dma_semaphore, #tpu.memory_space<semaphore_mem>>
        tpu.enqueue_indirect_dma source(%dma_start3A_222 : memref<168x64xf32, #tpu.memory_space<vmem_shared>>) target(%dma_start3A_216 : memref<128x64xf32, #tpu.memory_space<vmem>>) offsets(%dma_start3A_219 : memref<128xi32, #tpu.memory_space<vmem>>) semaphore(%dma_start3A_224 : memref<!tpu.dma_semaphore, #tpu.memory_space<semaphore_mem>>) {add = true}
      } else {
      }
      %sub3A_130 = arith.constant 2 : i32
      %sub3A_131 = arith.subi %add3A_114, %sub3A_130 : i32
      %ge3A_132 = arith.constant 0 : i32
      %ge3A_133 = arith.cmpi sge, %sub3A_131, %ge3A_132 : i32
      %lt3A_134 = arith.constant 200 : i32
      %lt3A_135 = arith.cmpi slt, %sub3A_131, %lt3A_134 : i32
      %and3A_136 = arith.andi %ge3A_133, %lt3A_135 : i1
      %convert_element_type3A_137 = arith.extui %and3A_136 : i1 to i32
      %cond3A_138 = arith.constant 0 : i32
      %cond3A_139 = arith.cmpi ne, %convert_element_type3A_137, %cond3A_138 : i32
      scf.if %cond3A_139 {
        %dma_wait3A_198 = arith.constant 3 : i32
        %dma_wait3A_199 = arith.constant 3 : i32
        %dma_wait3A_200 = arith.constant 0 : i32
        %dma_wait3A_201 = arith.constant 0 : i32
        %dma_wait3A_202 = tpu.memref_slice %arg9[%dma_wait3A_198, %dma_wait3A_200, %dma_wait3A_201] : memref<4x128x64xf32, #tpu.memory_space<vmem>> -> memref<1x128x64xf32, #tpu.memory_space<vmem>>
        %dma_wait3A_203 = tpu.memref_squeeze %dma_wait3A_202 : memref<1x128x64xf32, #tpu.memory_space<vmem>> -> memref<128x64xf32, #tpu.memory_space<vmem>>
        %dma_wait3A_204 = arith.constant 0 : i32
        %dma_wait3A_205 = tpu.memref_slice %arg8[%sub3A_131, %dma_wait3A_204] : memref<200x128xi32, #tpu.memory_space<vmem>> -> memref<1x128xi32, #tpu.memory_space<vmem>>
        %dma_wait3A_206 = tpu.memref_squeeze %dma_wait3A_205 : memref<1x128xi32, #tpu.memory_space<vmem>> -> memref<128xi32, #tpu.memory_space<vmem>>
        %dma_wait3A_207 = arith.constant 0 : i32
        %dma_wait3A_208 = arith.constant 0 : i32
        %dma_wait3A_209 = tpu.memref_slice %arg10[%dma_wait3A_207, %dma_wait3A_208] : memref<168x64xf32, #tpu.memory_space<vmem_shared>> -> memref<168x64xf32, #tpu.memory_space<vmem_shared>>
        %dma_wait3A_210 = tpu.memref_slice %arg12[%dma_wait3A_199] : memref<4x!tpu.dma_semaphore, #tpu.memory_space<semaphore_mem>> -> memref<1x!tpu.dma_semaphore, #tpu.memory_space<semaphore_mem>>
        %dma_wait3A_211 = tpu.memref_squeeze %dma_wait3A_210 : memref<1x!tpu.dma_semaphore, #tpu.memory_space<semaphore_mem>> -> memref<!tpu.dma_semaphore, #tpu.memory_space<semaphore_mem>>
        tpu.wait_indirect_dma semaphore(%dma_wait3A_211 : memref<!tpu.dma_semaphore, #tpu.memory_space<semaphore_mem>>) src(%dma_wait3A_209 : memref<168x64xf32, #tpu.memory_space<vmem_shared>>) dst(%dma_wait3A_203 : memref<128x64xf32, #tpu.memory_space<vmem>>)
        %add3A_212 = arith.addi %mul3A_2, %sub3A_131 : i32
        %mul3A_213 = arith.constant 128 : i32
        %mul3A_214 = arith.muli %add3A_212, %mul3A_213 : i32
        %dma_start3A = arith.constant 3 : i32
        %dma_start3A_215 = arith.constant 3 : i32
        %dma_start3A_216 = arith.constant 0 : i32
        %dma_start3A_217 = arith.constant 0 : i32
        %dma_start3A_218 = tpu.memref_slice %arg9[%dma_start3A, %dma_start3A_216, %dma_start3A_217] : memref<4x128x64xf32, #tpu.memory_space<vmem>> -> memref<1x128x64xf32, #tpu.memory_space<vmem>>
        %dma_start3A_219 = tpu.memref_squeeze %dma_start3A_218 : memref<1x128x64xf32, #tpu.memory_space<vmem>> -> memref<128x64xf32, #tpu.memory_space<vmem>>
        %dma_start3A_220 = arith.constant 0 : i32
        %dma_start3A_221 = tpu.memref_slice %arg6[%mul3A_214, %dma_start3A_220] : memref<819200x64xf32, #tpu.memory_space<hbm>> -> memref<128x64xf32, #tpu.memory_space<hbm>>
        %dma_start3A_222 = tpu.memref_slice %arg13[%dma_start3A_215] : memref<4x!tpu.dma_semaphore, #tpu.memory_space<semaphore_mem>> -> memref<1x!tpu.dma_semaphore, #tpu.memory_space<semaphore_mem>>
        %dma_start3A_223 = tpu.memref_squeeze %dma_start3A_222 : memref<1x!tpu.dma_semaphore, #tpu.memory_space<semaphore_mem>> -> memref<!tpu.dma_semaphore, #tpu.memory_space<semaphore_mem>>
        %dma_start3A_224 = arith.constant 0 : i32
        %dma_start3A_225 = tpu.memref_slice %arg6[%mul3A_214, %dma_start3A_224] : memref<819200x64xf32, #tpu.memory_space<hbm>> -> memref<128x64xf32, #tpu.memory_space<hbm>>
        %dma_start3A_226 = arith.constant 0 : i32
        %dma_start3A_227 = arith.constant 0 : i32
        %dma_start3A_228 = tpu.memref_slice %arg9[%dma_start3A, %dma_start3A_226, %dma_start3A_227] : memref<4x128x64xf32, #tpu.memory_space<vmem>> -> memref<1x128x64xf32, #tpu.memory_space<vmem>>
        %dma_start3A_229 = tpu.memref_squeeze %dma_start3A_228 : memref<1x128x64xf32, #tpu.memory_space<vmem>> -> memref<128x64xf32, #tpu.memory_space<vmem>>
        tpu.enqueue_dma source(%dma_start3A_229 : memref<128x64xf32, #tpu.memory_space<vmem>>) target(%dma_start3A_225 : memref<128x64xf32, #tpu.memory_space<hbm>>) target_semaphore(%dma_start3A_223 : memref<!tpu.dma_semaphore, #tpu.memory_space<semaphore_mem>>)
      } else {
      }
      %mul3A_140 = arith.constant 4 : i32
      %mul3A_141 = arith.muli %scan3A_87, %mul3A_140 : i32
      %add3A_142 = arith.constant 2 : i32
      %add3A_143 = arith.addi %mul3A_141, %add3A_142 : i32
      %lt3A_144 = arith.constant 200 : i32
      %lt3A_145 = arith.cmpi slt, %add3A_143, %lt3A_144 : i32
      %convert_element_type3A_146 = arith.extui %lt3A_145 : i1 to i32
      %cond3A_147 = arith.constant 0 : i32
      %cond3A_148 = arith.cmpi ne, %convert_element_type3A_146, %cond3A_147 : i32
      scf.if %cond3A_148 {
        %ge3A_198 = arith.constant 4 : i32
        %ge3A_199 = arith.cmpi sge, %add3A_143, %ge3A_198 : i32
        %convert_element_type3A_200 = arith.extui %ge3A_199 : i1 to i32
        %cond3A_201 = arith.constant 0 : i32
        %cond3A_202 = arith.cmpi ne, %convert_element_type3A_200, %cond3A_201 : i32
        scf.if %cond3A_202 {
          %sub3A_216 = arith.constant 4 : i32
          %sub3A_217 = arith.subi %add3A_143, %sub3A_216 : i32
          %add3A_218 = arith.addi %mul3A_2, %sub3A_217 : i32
          %mul3A_219 = arith.constant 128 : i32
          %mul3A_220 = arith.muli %add3A_218, %mul3A_219 : i32
          %dma_wait3A_221 = arith.constant 2 : i32
          %dma_wait3A_222 = arith.constant 2 : i32
          %dma_wait3A_223 = arith.constant 0 : i32
          %dma_wait3A_224 = arith.constant 0 : i32
          %dma_wait3A_225 = tpu.memref_slice %arg9[%dma_wait3A_221, %dma_wait3A_223, %dma_wait3A_224] : memref<4x128x64xf32, #tpu.memory_space<vmem>> -> memref<1x128x64xf32, #tpu.memory_space<vmem>>
          %dma_wait3A_226 = tpu.memref_squeeze %dma_wait3A_225 : memref<1x128x64xf32, #tpu.memory_space<vmem>> -> memref<128x64xf32, #tpu.memory_space<vmem>>
          %dma_wait3A_227 = arith.constant 0 : i32
          %dma_wait3A_228 = tpu.memref_slice %arg6[%mul3A_220, %dma_wait3A_227] : memref<819200x64xf32, #tpu.memory_space<hbm>> -> memref<128x64xf32, #tpu.memory_space<hbm>>
          %dma_wait3A_229 = tpu.memref_slice %arg13[%dma_wait3A_222] : memref<4x!tpu.dma_semaphore, #tpu.memory_space<semaphore_mem>> -> memref<1x!tpu.dma_semaphore, #tpu.memory_space<semaphore_mem>>
          %dma_wait3A_230 = tpu.memref_squeeze %dma_wait3A_229 : memref<1x!tpu.dma_semaphore, #tpu.memory_space<semaphore_mem>> -> memref<!tpu.dma_semaphore, #tpu.memory_space<semaphore_mem>>
          %dma_wait3A_231 = arith.constant 0 : i32
          %dma_wait3A_232 = tpu.memref_slice %arg6[%mul3A_220, %dma_wait3A_231] : memref<819200x64xf32, #tpu.memory_space<hbm>> -> memref<128x64xf32, #tpu.memory_space<hbm>>
          %dma_wait3A_233 = arith.constant 0 : i32
          %dma_wait3A_234 = arith.constant 0 : i32
          %dma_wait3A_235 = tpu.memref_slice %arg9[%dma_wait3A_221, %dma_wait3A_233, %dma_wait3A_234] : memref<4x128x64xf32, #tpu.memory_space<vmem>> -> memref<1x128x64xf32, #tpu.memory_space<vmem>>
          %dma_wait3A_236 = tpu.memref_squeeze %dma_wait3A_235 : memref<1x128x64xf32, #tpu.memory_space<vmem>> -> memref<128x64xf32, #tpu.memory_space<vmem>>
          tpu.wait_dma2 semaphore(%dma_wait3A_230 : memref<!tpu.dma_semaphore, #tpu.memory_space<semaphore_mem>>) src(%dma_wait3A_236 : memref<128x64xf32, #tpu.memory_space<vmem>>) dst(%dma_wait3A_232 : memref<128x64xf32, #tpu.memory_space<hbm>>)
        } else {
        }
        %dma_start3A = arith.constant 2 : i32
        %dma_start3A_203 = arith.constant 2 : i32
        %dma_start3A_204 = arith.constant 0 : i32
        %dma_start3A_205 = arith.constant 0 : i32
        %dma_start3A_206 = tpu.memref_slice %arg9[%dma_start3A, %dma_start3A_204, %dma_start3A_205] : memref<4x128x64xf32, #tpu.memory_space<vmem>> -> memref<1x128x64xf32, #tpu.memory_space<vmem>>
        %dma_start3A_207 = tpu.memref_squeeze %dma_start3A_206 : memref<1x128x64xf32, #tpu.memory_space<vmem>> -> memref<128x64xf32, #tpu.memory_space<vmem>>
        %dma_start3A_208 = arith.constant 0 : i32
        %dma_start3A_209 = tpu.memref_slice %arg7[%add3A_143, %dma_start3A_208] : memref<200x128xi32, #tpu.memory_space<vmem>> -> memref<1x128xi32, #tpu.memory_space<vmem>>
        %dma_start3A_210 = tpu.memref_squeeze %dma_start3A_209 : memref<1x128xi32, #tpu.memory_space<vmem>> -> memref<128xi32, #tpu.memory_space<vmem>>
        %dma_start3A_211 = arith.constant 0 : i32
        %dma_start3A_212 = arith.constant 0 : i32
        %dma_start3A_213 = tpu.memref_slice %arg4[%dma_start3A_211, %dma_start3A_212] : memref<1000000x64xf32, #tpu.memory_space<hbm>> -> memref<1000000x64xf32, #tpu.memory_space<hbm>>
        %dma_start3A_214 = tpu.memref_slice %arg11[%dma_start3A_203] : memref<4x!tpu.dma_semaphore, #tpu.memory_space<semaphore_mem>> -> memref<1x!tpu.dma_semaphore, #tpu.memory_space<semaphore_mem>>
        %dma_start3A_215 = tpu.memref_squeeze %dma_start3A_214 : memref<1x!tpu.dma_semaphore, #tpu.memory_space<semaphore_mem>> -> memref<!tpu.dma_semaphore, #tpu.memory_space<semaphore_mem>>
        tpu.enqueue_indirect_dma source(%dma_start3A_213 : memref<1000000x64xf32, #tpu.memory_space<hbm>>) target(%dma_start3A_207 : memref<128x64xf32, #tpu.memory_space<vmem>>) offsets(%dma_start3A_210 : memref<128xi32, #tpu.memory_space<vmem>>) semaphore(%dma_start3A_215 : memref<!tpu.dma_semaphore, #tpu.memory_space<semaphore_mem>>)
      } else {
      }
      %sub3A_149 = arith.constant 1 : i32
      %sub3A_150 = arith.subi %add3A_143, %sub3A_149 : i32
      %ge3A_151 = arith.constant 0 : i32
      %ge3A_152 = arith.cmpi sge, %sub3A_150, %ge3A_151 : i32
      %lt3A_153 = arith.constant 200 : i32
      %lt3A_154 = arith.cmpi slt, %sub3A_150, %lt3A_153 : i32
      %and3A_155 = arith.andi %ge3A_152, %lt3A_154 : i1
      %convert_element_type3A_156 = arith.extui %and3A_155 : i1 to i32
      %cond3A_157 = arith.constant 0 : i32
      %cond3A_158 = arith.cmpi ne, %convert_element_type3A_156, %cond3A_157 : i32
      scf.if %cond3A_158 {
        %dma_wait3A_198 = arith.constant 1 : i32
        %dma_wait3A_199 = arith.constant 1 : i32
        %dma_wait3A_200 = arith.constant 0 : i32
        %dma_wait3A_201 = arith.constant 0 : i32
        %dma_wait3A_202 = tpu.memref_slice %arg9[%dma_wait3A_198, %dma_wait3A_200, %dma_wait3A_201] : memref<4x128x64xf32, #tpu.memory_space<vmem>> -> memref<1x128x64xf32, #tpu.memory_space<vmem>>
        %dma_wait3A_203 = tpu.memref_squeeze %dma_wait3A_202 : memref<1x128x64xf32, #tpu.memory_space<vmem>> -> memref<128x64xf32, #tpu.memory_space<vmem>>
        %dma_wait3A_204 = arith.constant 0 : i32
        %dma_wait3A_205 = tpu.memref_slice %arg7[%sub3A_150, %dma_wait3A_204] : memref<200x128xi32, #tpu.memory_space<vmem>> -> memref<1x128xi32, #tpu.memory_space<vmem>>
        %dma_wait3A_206 = tpu.memref_squeeze %dma_wait3A_205 : memref<1x128xi32, #tpu.memory_space<vmem>> -> memref<128xi32, #tpu.memory_space<vmem>>
        %dma_wait3A_207 = arith.constant 0 : i32
        %dma_wait3A_208 = arith.constant 0 : i32
        %dma_wait3A_209 = tpu.memref_slice %arg4[%dma_wait3A_207, %dma_wait3A_208] : memref<1000000x64xf32, #tpu.memory_space<hbm>> -> memref<1000000x64xf32, #tpu.memory_space<hbm>>
        %dma_wait3A_210 = tpu.memref_slice %arg11[%dma_wait3A_199] : memref<4x!tpu.dma_semaphore, #tpu.memory_space<semaphore_mem>> -> memref<1x!tpu.dma_semaphore, #tpu.memory_space<semaphore_mem>>
        %dma_wait3A_211 = tpu.memref_squeeze %dma_wait3A_210 : memref<1x!tpu.dma_semaphore, #tpu.memory_space<semaphore_mem>> -> memref<!tpu.dma_semaphore, #tpu.memory_space<semaphore_mem>>
        tpu.wait_indirect_dma semaphore(%dma_wait3A_211 : memref<!tpu.dma_semaphore, #tpu.memory_space<semaphore_mem>>) src(%dma_wait3A_209 : memref<1000000x64xf32, #tpu.memory_space<hbm>>) dst(%dma_wait3A_203 : memref<128x64xf32, #tpu.memory_space<vmem>>)
        %dma_start3A = arith.constant 1 : i32
        %dma_start3A_212 = arith.constant 1 : i32
        %dma_start3A_213 = arith.constant 0 : i32
        %dma_start3A_214 = arith.constant 0 : i32
        %dma_start3A_215 = tpu.memref_slice %arg9[%dma_start3A, %dma_start3A_213, %dma_start3A_214] : memref<4x128x64xf32, #tpu.memory_space<vmem>> -> memref<1x128x64xf32, #tpu.memory_space<vmem>>
        %dma_start3A_216 = tpu.memref_squeeze %dma_start3A_215 : memref<1x128x64xf32, #tpu.memory_space<vmem>> -> memref<128x64xf32, #tpu.memory_space<vmem>>
        %dma_start3A_217 = arith.constant 0 : i32
        %dma_start3A_218 = tpu.memref_slice %arg8[%sub3A_150, %dma_start3A_217] : memref<200x128xi32, #tpu.memory_space<vmem>> -> memref<1x128xi32, #tpu.memory_space<vmem>>
        %dma_start3A_219 = tpu.memref_squeeze %dma_start3A_218 : memref<1x128xi32, #tpu.memory_space<vmem>> -> memref<128xi32, #tpu.memory_space<vmem>>
        %dma_start3A_220 = arith.constant 0 : i32
        %dma_start3A_221 = arith.constant 0 : i32
        %dma_start3A_222 = tpu.memref_slice %arg10[%dma_start3A_220, %dma_start3A_221] : memref<168x64xf32, #tpu.memory_space<vmem_shared>> -> memref<168x64xf32, #tpu.memory_space<vmem_shared>>
        %dma_start3A_223 = tpu.memref_slice %arg12[%dma_start3A_212] : memref<4x!tpu.dma_semaphore, #tpu.memory_space<semaphore_mem>> -> memref<1x!tpu.dma_semaphore, #tpu.memory_space<semaphore_mem>>
        %dma_start3A_224 = tpu.memref_squeeze %dma_start3A_223 : memref<1x!tpu.dma_semaphore, #tpu.memory_space<semaphore_mem>> -> memref<!tpu.dma_semaphore, #tpu.memory_space<semaphore_mem>>
        tpu.enqueue_indirect_dma source(%dma_start3A_222 : memref<168x64xf32, #tpu.memory_space<vmem_shared>>) target(%dma_start3A_216 : memref<128x64xf32, #tpu.memory_space<vmem>>) offsets(%dma_start3A_219 : memref<128xi32, #tpu.memory_space<vmem>>) semaphore(%dma_start3A_224 : memref<!tpu.dma_semaphore, #tpu.memory_space<semaphore_mem>>) {add = true}
      } else {
      }
      %sub3A_159 = arith.constant 2 : i32
      %sub3A_160 = arith.subi %add3A_143, %sub3A_159 : i32
      %ge3A_161 = arith.constant 0 : i32
      %ge3A_162 = arith.cmpi sge, %sub3A_160, %ge3A_161 : i32
      %lt3A_163 = arith.constant 200 : i32
      %lt3A_164 = arith.cmpi slt, %sub3A_160, %lt3A_163 : i32
      %and3A_165 = arith.andi %ge3A_162, %lt3A_164 : i1
      %convert_element_type3A_166 = arith.extui %and3A_165 : i1 to i32
      %cond3A_167 = arith.constant 0 : i32
      %cond3A_168 = arith.cmpi ne, %convert_element_type3A_166, %cond3A_167 : i32
      scf.if %cond3A_168 {
        %dma_wait3A_198 = arith.constant 0 : i32
        %dma_wait3A_199 = arith.constant 0 : i32
        %dma_wait3A_200 = arith.constant 0 : i32
        %dma_wait3A_201 = arith.constant 0 : i32
        %dma_wait3A_202 = tpu.memref_slice %arg9[%dma_wait3A_198, %dma_wait3A_200, %dma_wait3A_201] : memref<4x128x64xf32, #tpu.memory_space<vmem>> -> memref<1x128x64xf32, #tpu.memory_space<vmem>>
        %dma_wait3A_203 = tpu.memref_squeeze %dma_wait3A_202 : memref<1x128x64xf32, #tpu.memory_space<vmem>> -> memref<128x64xf32, #tpu.memory_space<vmem>>
        %dma_wait3A_204 = arith.constant 0 : i32
        %dma_wait3A_205 = tpu.memref_slice %arg8[%sub3A_160, %dma_wait3A_204] : memref<200x128xi32, #tpu.memory_space<vmem>> -> memref<1x128xi32, #tpu.memory_space<vmem>>
        %dma_wait3A_206 = tpu.memref_squeeze %dma_wait3A_205 : memref<1x128xi32, #tpu.memory_space<vmem>> -> memref<128xi32, #tpu.memory_space<vmem>>
        %dma_wait3A_207 = arith.constant 0 : i32
        %dma_wait3A_208 = arith.constant 0 : i32
        %dma_wait3A_209 = tpu.memref_slice %arg10[%dma_wait3A_207, %dma_wait3A_208] : memref<168x64xf32, #tpu.memory_space<vmem_shared>> -> memref<168x64xf32, #tpu.memory_space<vmem_shared>>
        %dma_wait3A_210 = tpu.memref_slice %arg12[%dma_wait3A_199] : memref<4x!tpu.dma_semaphore, #tpu.memory_space<semaphore_mem>> -> memref<1x!tpu.dma_semaphore, #tpu.memory_space<semaphore_mem>>
        %dma_wait3A_211 = tpu.memref_squeeze %dma_wait3A_210 : memref<1x!tpu.dma_semaphore, #tpu.memory_space<semaphore_mem>> -> memref<!tpu.dma_semaphore, #tpu.memory_space<semaphore_mem>>
        tpu.wait_indirect_dma semaphore(%dma_wait3A_211 : memref<!tpu.dma_semaphore, #tpu.memory_space<semaphore_mem>>) src(%dma_wait3A_209 : memref<168x64xf32, #tpu.memory_space<vmem_shared>>) dst(%dma_wait3A_203 : memref<128x64xf32, #tpu.memory_space<vmem>>)
        %add3A_212 = arith.addi %mul3A_2, %sub3A_160 : i32
        %mul3A_213 = arith.constant 128 : i32
        %mul3A_214 = arith.muli %add3A_212, %mul3A_213 : i32
        %dma_start3A = arith.constant 0 : i32
        %dma_start3A_215 = arith.constant 0 : i32
        %dma_start3A_216 = arith.constant 0 : i32
        %dma_start3A_217 = arith.constant 0 : i32
        %dma_start3A_218 = tpu.memref_slice %arg9[%dma_start3A, %dma_start3A_216, %dma_start3A_217] : memref<4x128x64xf32, #tpu.memory_space<vmem>> -> memref<1x128x64xf32, #tpu.memory_space<vmem>>
        %dma_start3A_219 = tpu.memref_squeeze %dma_start3A_218 : memref<1x128x64xf32, #tpu.memory_space<vmem>> -> memref<128x64xf32, #tpu.memory_space<vmem>>
        %dma_start3A_220 = arith.constant 0 : i32
        %dma_start3A_221 = tpu.memref_slice %arg6[%mul3A_214, %dma_start3A_220] : memref<819200x64xf32, #tpu.memory_space<hbm>> -> memref<128x64xf32, #tpu.memory_space<hbm>>
        %dma_start3A_222 = tpu.memref_slice %arg13[%dma_start3A_215] : memref<4x!tpu.dma_semaphore, #tpu.memory_space<semaphore_mem>> -> memref<1x!tpu.dma_semaphore, #tpu.memory_space<semaphore_mem>>
        %dma_start3A_223 = tpu.memref_squeeze %dma_start3A_222 : memref<1x!tpu.dma_semaphore, #tpu.memory_space<semaphore_mem>> -> memref<!tpu.dma_semaphore, #tpu.memory_space<semaphore_mem>>
        %dma_start3A_224 = arith.constant 0 : i32
        %dma_start3A_225 = tpu.memref_slice %arg6[%mul3A_214, %dma_start3A_224] : memref<819200x64xf32, #tpu.memory_space<hbm>> -> memref<128x64xf32, #tpu.memory_space<hbm>>
        %dma_start3A_226 = arith.constant 0 : i32
        %dma_start3A_227 = arith.constant 0 : i32
        %dma_start3A_228 = tpu.memref_slice %arg9[%dma_start3A, %dma_start3A_226, %dma_start3A_227] : memref<4x128x64xf32, #tpu.memory_space<vmem>> -> memref<1x128x64xf32, #tpu.memory_space<vmem>>
        %dma_start3A_229 = tpu.memref_squeeze %dma_start3A_228 : memref<1x128x64xf32, #tpu.memory_space<vmem>> -> memref<128x64xf32, #tpu.memory_space<vmem>>
        tpu.enqueue_dma source(%dma_start3A_229 : memref<128x64xf32, #tpu.memory_space<vmem>>) target(%dma_start3A_225 : memref<128x64xf32, #tpu.memory_space<hbm>>) target_semaphore(%dma_start3A_223 : memref<!tpu.dma_semaphore, #tpu.memory_space<semaphore_mem>>)
      } else {
      }
      %mul3A_169 = arith.constant 4 : i32
      %mul3A_170 = arith.muli %scan3A_87, %mul3A_169 : i32
      %add3A_171 = arith.constant 3 : i32
      %add3A_172 = arith.addi %mul3A_170, %add3A_171 : i32
      %lt3A_173 = arith.constant 200 : i32
      %lt3A_174 = arith.cmpi slt, %add3A_172, %lt3A_173 : i32
      %convert_element_type3A_175 = arith.extui %lt3A_174 : i1 to i32
      %cond3A_176 = arith.constant 0 : i32
      %cond3A_177 = arith.cmpi ne, %convert_element_type3A_175, %cond3A_176 : i32
      scf.if %cond3A_177 {
        %ge3A_198 = arith.constant 4 : i32
        %ge3A_199 = arith.cmpi sge, %add3A_172, %ge3A_198 : i32
        %convert_element_type3A_200 = arith.extui %ge3A_199 : i1 to i32
        %cond3A_201 = arith.constant 0 : i32
        %cond3A_202 = arith.cmpi ne, %convert_element_type3A_200, %cond3A_201 : i32
        scf.if %cond3A_202 {
          %sub3A_216 = arith.constant 4 : i32
          %sub3A_217 = arith.subi %add3A_172, %sub3A_216 : i32
          %add3A_218 = arith.addi %mul3A_2, %sub3A_217 : i32
          %mul3A_219 = arith.constant 128 : i32
          %mul3A_220 = arith.muli %add3A_218, %mul3A_219 : i32
          %dma_wait3A_221 = arith.constant 3 : i32
          %dma_wait3A_222 = arith.constant 3 : i32
          %dma_wait3A_223 = arith.constant 0 : i32
          %dma_wait3A_224 = arith.constant 0 : i32
          %dma_wait3A_225 = tpu.memref_slice %arg9[%dma_wait3A_221, %dma_wait3A_223, %dma_wait3A_224] : memref<4x128x64xf32, #tpu.memory_space<vmem>> -> memref<1x128x64xf32, #tpu.memory_space<vmem>>
          %dma_wait3A_226 = tpu.memref_squeeze %dma_wait3A_225 : memref<1x128x64xf32, #tpu.memory_space<vmem>> -> memref<128x64xf32, #tpu.memory_space<vmem>>
          %dma_wait3A_227 = arith.constant 0 : i32
          %dma_wait3A_228 = tpu.memref_slice %arg6[%mul3A_220, %dma_wait3A_227] : memref<819200x64xf32, #tpu.memory_space<hbm>> -> memref<128x64xf32, #tpu.memory_space<hbm>>
          %dma_wait3A_229 = tpu.memref_slice %arg13[%dma_wait3A_222] : memref<4x!tpu.dma_semaphore, #tpu.memory_space<semaphore_mem>> -> memref<1x!tpu.dma_semaphore, #tpu.memory_space<semaphore_mem>>
          %dma_wait3A_230 = tpu.memref_squeeze %dma_wait3A_229 : memref<1x!tpu.dma_semaphore, #tpu.memory_space<semaphore_mem>> -> memref<!tpu.dma_semaphore, #tpu.memory_space<semaphore_mem>>
          %dma_wait3A_231 = arith.constant 0 : i32
          %dma_wait3A_232 = tpu.memref_slice %arg6[%mul3A_220, %dma_wait3A_231] : memref<819200x64xf32, #tpu.memory_space<hbm>> -> memref<128x64xf32, #tpu.memory_space<hbm>>
          %dma_wait3A_233 = arith.constant 0 : i32
          %dma_wait3A_234 = arith.constant 0 : i32
          %dma_wait3A_235 = tpu.memref_slice %arg9[%dma_wait3A_221, %dma_wait3A_233, %dma_wait3A_234] : memref<4x128x64xf32, #tpu.memory_space<vmem>> -> memref<1x128x64xf32, #tpu.memory_space<vmem>>
          %dma_wait3A_236 = tpu.memref_squeeze %dma_wait3A_235 : memref<1x128x64xf32, #tpu.memory_space<vmem>> -> memref<128x64xf32, #tpu.memory_space<vmem>>
          tpu.wait_dma2 semaphore(%dma_wait3A_230 : memref<!tpu.dma_semaphore, #tpu.memory_space<semaphore_mem>>) src(%dma_wait3A_236 : memref<128x64xf32, #tpu.memory_space<vmem>>) dst(%dma_wait3A_232 : memref<128x64xf32, #tpu.memory_space<hbm>>)
        } else {
        }
        %dma_start3A = arith.constant 3 : i32
        %dma_start3A_203 = arith.constant 3 : i32
        %dma_start3A_204 = arith.constant 0 : i32
        %dma_start3A_205 = arith.constant 0 : i32
        %dma_start3A_206 = tpu.memref_slice %arg9[%dma_start3A, %dma_start3A_204, %dma_start3A_205] : memref<4x128x64xf32, #tpu.memory_space<vmem>> -> memref<1x128x64xf32, #tpu.memory_space<vmem>>
        %dma_start3A_207 = tpu.memref_squeeze %dma_start3A_206 : memref<1x128x64xf32, #tpu.memory_space<vmem>> -> memref<128x64xf32, #tpu.memory_space<vmem>>
        %dma_start3A_208 = arith.constant 0 : i32
        %dma_start3A_209 = tpu.memref_slice %arg7[%add3A_172, %dma_start3A_208] : memref<200x128xi32, #tpu.memory_space<vmem>> -> memref<1x128xi32, #tpu.memory_space<vmem>>
        %dma_start3A_210 = tpu.memref_squeeze %dma_start3A_209 : memref<1x128xi32, #tpu.memory_space<vmem>> -> memref<128xi32, #tpu.memory_space<vmem>>
        %dma_start3A_211 = arith.constant 0 : i32
        %dma_start3A_212 = arith.constant 0 : i32
        %dma_start3A_213 = tpu.memref_slice %arg4[%dma_start3A_211, %dma_start3A_212] : memref<1000000x64xf32, #tpu.memory_space<hbm>> -> memref<1000000x64xf32, #tpu.memory_space<hbm>>
        %dma_start3A_214 = tpu.memref_slice %arg11[%dma_start3A_203] : memref<4x!tpu.dma_semaphore, #tpu.memory_space<semaphore_mem>> -> memref<1x!tpu.dma_semaphore, #tpu.memory_space<semaphore_mem>>
        %dma_start3A_215 = tpu.memref_squeeze %dma_start3A_214 : memref<1x!tpu.dma_semaphore, #tpu.memory_space<semaphore_mem>> -> memref<!tpu.dma_semaphore, #tpu.memory_space<semaphore_mem>>
        tpu.enqueue_indirect_dma source(%dma_start3A_213 : memref<1000000x64xf32, #tpu.memory_space<hbm>>) target(%dma_start3A_207 : memref<128x64xf32, #tpu.memory_space<vmem>>) offsets(%dma_start3A_210 : memref<128xi32, #tpu.memory_space<vmem>>) semaphore(%dma_start3A_215 : memref<!tpu.dma_semaphore, #tpu.memory_space<semaphore_mem>>)
      } else {
      }
      %sub3A_178 = arith.constant 1 : i32
      %sub3A_179 = arith.subi %add3A_172, %sub3A_178 : i32
      %ge3A_180 = arith.constant 0 : i32
      %ge3A_181 = arith.cmpi sge, %sub3A_179, %ge3A_180 : i32
      %lt3A_182 = arith.constant 200 : i32
      %lt3A_183 = arith.cmpi slt, %sub3A_179, %lt3A_182 : i32
      %and3A_184 = arith.andi %ge3A_181, %lt3A_183 : i1
      %convert_element_type3A_185 = arith.extui %and3A_184 : i1 to i32
      %cond3A_186 = arith.constant 0 : i32
      %cond3A_187 = arith.cmpi ne, %convert_element_type3A_185, %cond3A_186 : i32
      scf.if %cond3A_187 {
        %dma_wait3A_198 = arith.constant 2 : i32
        %dma_wait3A_199 = arith.constant 2 : i32
        %dma_wait3A_200 = arith.constant 0 : i32
        %dma_wait3A_201 = arith.constant 0 : i32
        %dma_wait3A_202 = tpu.memref_slice %arg9[%dma_wait3A_198, %dma_wait3A_200, %dma_wait3A_201] : memref<4x128x64xf32, #tpu.memory_space<vmem>> -> memref<1x128x64xf32, #tpu.memory_space<vmem>>
        %dma_wait3A_203 = tpu.memref_squeeze %dma_wait3A_202 : memref<1x128x64xf32, #tpu.memory_space<vmem>> -> memref<128x64xf32, #tpu.memory_space<vmem>>
        %dma_wait3A_204 = arith.constant 0 : i32
        %dma_wait3A_205 = tpu.memref_slice %arg7[%sub3A_179, %dma_wait3A_204] : memref<200x128xi32, #tpu.memory_space<vmem>> -> memref<1x128xi32, #tpu.memory_space<vmem>>
        %dma_wait3A_206 = tpu.memref_squeeze %dma_wait3A_205 : memref<1x128xi32, #tpu.memory_space<vmem>> -> memref<128xi32, #tpu.memory_space<vmem>>
        %dma_wait3A_207 = arith.constant 0 : i32
        %dma_wait3A_208 = arith.constant 0 : i32
        %dma_wait3A_209 = tpu.memref_slice %arg4[%dma_wait3A_207, %dma_wait3A_208] : memref<1000000x64xf32, #tpu.memory_space<hbm>> -> memref<1000000x64xf32, #tpu.memory_space<hbm>>
        %dma_wait3A_210 = tpu.memref_slice %arg11[%dma_wait3A_199] : memref<4x!tpu.dma_semaphore, #tpu.memory_space<semaphore_mem>> -> memref<1x!tpu.dma_semaphore, #tpu.memory_space<semaphore_mem>>
        %dma_wait3A_211 = tpu.memref_squeeze %dma_wait3A_210 : memref<1x!tpu.dma_semaphore, #tpu.memory_space<semaphore_mem>> -> memref<!tpu.dma_semaphore, #tpu.memory_space<semaphore_mem>>
        tpu.wait_indirect_dma semaphore(%dma_wait3A_211 : memref<!tpu.dma_semaphore, #tpu.memory_space<semaphore_mem>>) src(%dma_wait3A_209 : memref<1000000x64xf32, #tpu.memory_space<hbm>>) dst(%dma_wait3A_203 : memref<128x64xf32, #tpu.memory_space<vmem>>)
        %dma_start3A = arith.constant 2 : i32
        %dma_start3A_212 = arith.constant 2 : i32
        %dma_start3A_213 = arith.constant 0 : i32
        %dma_start3A_214 = arith.constant 0 : i32
        %dma_start3A_215 = tpu.memref_slice %arg9[%dma_start3A, %dma_start3A_213, %dma_start3A_214] : memref<4x128x64xf32, #tpu.memory_space<vmem>> -> memref<1x128x64xf32, #tpu.memory_space<vmem>>
        %dma_start3A_216 = tpu.memref_squeeze %dma_start3A_215 : memref<1x128x64xf32, #tpu.memory_space<vmem>> -> memref<128x64xf32, #tpu.memory_space<vmem>>
        %dma_start3A_217 = arith.constant 0 : i32
        %dma_start3A_218 = tpu.memref_slice %arg8[%sub3A_179, %dma_start3A_217] : memref<200x128xi32, #tpu.memory_space<vmem>> -> memref<1x128xi32, #tpu.memory_space<vmem>>
        %dma_start3A_219 = tpu.memref_squeeze %dma_start3A_218 : memref<1x128xi32, #tpu.memory_space<vmem>> -> memref<128xi32, #tpu.memory_space<vmem>>
        %dma_start3A_220 = arith.constant 0 : i32
        %dma_start3A_221 = arith.constant 0 : i32
        %dma_start3A_222 = tpu.memref_slice %arg10[%dma_start3A_220, %dma_start3A_221] : memref<168x64xf32, #tpu.memory_space<vmem_shared>> -> memref<168x64xf32, #tpu.memory_space<vmem_shared>>
        %dma_start3A_223 = tpu.memref_slice %arg12[%dma_start3A_212] : memref<4x!tpu.dma_semaphore, #tpu.memory_space<semaphore_mem>> -> memref<1x!tpu.dma_semaphore, #tpu.memory_space<semaphore_mem>>
        %dma_start3A_224 = tpu.memref_squeeze %dma_start3A_223 : memref<1x!tpu.dma_semaphore, #tpu.memory_space<semaphore_mem>> -> memref<!tpu.dma_semaphore, #tpu.memory_space<semaphore_mem>>
        tpu.enqueue_indirect_dma source(%dma_start3A_222 : memref<168x64xf32, #tpu.memory_space<vmem_shared>>) target(%dma_start3A_216 : memref<128x64xf32, #tpu.memory_space<vmem>>) offsets(%dma_start3A_219 : memref<128xi32, #tpu.memory_space<vmem>>) semaphore(%dma_start3A_224 : memref<!tpu.dma_semaphore, #tpu.memory_space<semaphore_mem>>) {add = true}
      } else {
      }
      %sub3A_188 = arith.constant 2 : i32
      %sub3A_189 = arith.subi %add3A_172, %sub3A_188 : i32
      %ge3A_190 = arith.constant 0 : i32
      %ge3A_191 = arith.cmpi sge, %sub3A_189, %ge3A_190 : i32
      %lt3A_192 = arith.constant 200 : i32
      %lt3A_193 = arith.cmpi slt, %sub3A_189, %lt3A_192 : i32
      %and3A_194 = arith.andi %ge3A_191, %lt3A_193 : i1
      %convert_element_type3A_195 = arith.extui %and3A_194 : i1 to i32
      %cond3A_196 = arith.constant 0 : i32
      %cond3A_197 = arith.cmpi ne, %convert_element_type3A_195, %cond3A_196 : i32
      scf.if %cond3A_197 {
        %dma_wait3A_198 = arith.constant 1 : i32
        %dma_wait3A_199 = arith.constant 1 : i32
        %dma_wait3A_200 = arith.constant 0 : i32
        %dma_wait3A_201 = arith.constant 0 : i32
        %dma_wait3A_202 = tpu.memref_slice %arg9[%dma_wait3A_198, %dma_wait3A_200, %dma_wait3A_201] : memref<4x128x64xf32, #tpu.memory_space<vmem>> -> memref<1x128x64xf32, #tpu.memory_space<vmem>>
        %dma_wait3A_203 = tpu.memref_squeeze %dma_wait3A_202 : memref<1x128x64xf32, #tpu.memory_space<vmem>> -> memref<128x64xf32, #tpu.memory_space<vmem>>
        %dma_wait3A_204 = arith.constant 0 : i32
        %dma_wait3A_205 = tpu.memref_slice %arg8[%sub3A_189, %dma_wait3A_204] : memref<200x128xi32, #tpu.memory_space<vmem>> -> memref<1x128xi32, #tpu.memory_space<vmem>>
        %dma_wait3A_206 = tpu.memref_squeeze %dma_wait3A_205 : memref<1x128xi32, #tpu.memory_space<vmem>> -> memref<128xi32, #tpu.memory_space<vmem>>
        %dma_wait3A_207 = arith.constant 0 : i32
        %dma_wait3A_208 = arith.constant 0 : i32
        %dma_wait3A_209 = tpu.memref_slice %arg10[%dma_wait3A_207, %dma_wait3A_208] : memref<168x64xf32, #tpu.memory_space<vmem_shared>> -> memref<168x64xf32, #tpu.memory_space<vmem_shared>>
        %dma_wait3A_210 = tpu.memref_slice %arg12[%dma_wait3A_199] : memref<4x!tpu.dma_semaphore, #tpu.memory_space<semaphore_mem>> -> memref<1x!tpu.dma_semaphore, #tpu.memory_space<semaphore_mem>>
        %dma_wait3A_211 = tpu.memref_squeeze %dma_wait3A_210 : memref<1x!tpu.dma_semaphore, #tpu.memory_space<semaphore_mem>> -> memref<!tpu.dma_semaphore, #tpu.memory_space<semaphore_mem>>
        tpu.wait_indirect_dma semaphore(%dma_wait3A_211 : memref<!tpu.dma_semaphore, #tpu.memory_space<semaphore_mem>>) src(%dma_wait3A_209 : memref<168x64xf32, #tpu.memory_space<vmem_shared>>) dst(%dma_wait3A_203 : memref<128x64xf32, #tpu.memory_space<vmem>>)
        %add3A_212 = arith.addi %mul3A_2, %sub3A_189 : i32
        %mul3A_213 = arith.constant 128 : i32
        %mul3A_214 = arith.muli %add3A_212, %mul3A_213 : i32
        %dma_start3A = arith.constant 1 : i32
        %dma_start3A_215 = arith.constant 1 : i32
        %dma_start3A_216 = arith.constant 0 : i32
        %dma_start3A_217 = arith.constant 0 : i32
        %dma_start3A_218 = tpu.memref_slice %arg9[%dma_start3A, %dma_start3A_216, %dma_start3A_217] : memref<4x128x64xf32, #tpu.memory_space<vmem>> -> memref<1x128x64xf32, #tpu.memory_space<vmem>>
        %dma_start3A_219 = tpu.memref_squeeze %dma_start3A_218 : memref<1x128x64xf32, #tpu.memory_space<vmem>> -> memref<128x64xf32, #tpu.memory_space<vmem>>
        %dma_start3A_220 = arith.constant 0 : i32
        %dma_start3A_221 = tpu.memref_slice %arg6[%mul3A_214, %dma_start3A_220] : memref<819200x64xf32, #tpu.memory_space<hbm>> -> memref<128x64xf32, #tpu.memory_space<hbm>>
        %dma_start3A_222 = tpu.memref_slice %arg13[%dma_start3A_215] : memref<4x!tpu.dma_semaphore, #tpu.memory_space<semaphore_mem>> -> memref<1x!tpu.dma_semaphore, #tpu.memory_space<semaphore_mem>>
        %dma_start3A_223 = tpu.memref_squeeze %dma_start3A_222 : memref<1x!tpu.dma_semaphore, #tpu.memory_space<semaphore_mem>> -> memref<!tpu.dma_semaphore, #tpu.memory_space<semaphore_mem>>
        %dma_start3A_224 = arith.constant 0 : i32
        %dma_start3A_225 = tpu.memref_slice %arg6[%mul3A_214, %dma_start3A_224] : memref<819200x64xf32, #tpu.memory_space<hbm>> -> memref<128x64xf32, #tpu.memory_space<hbm>>
        %dma_start3A_226 = arith.constant 0 : i32
        %dma_start3A_227 = arith.constant 0 : i32
        %dma_start3A_228 = tpu.memref_slice %arg9[%dma_start3A, %dma_start3A_226, %dma_start3A_227] : memref<4x128x64xf32, #tpu.memory_space<vmem>> -> memref<1x128x64xf32, #tpu.memory_space<vmem>>
        %dma_start3A_229 = tpu.memref_squeeze %dma_start3A_228 : memref<1x128x64xf32, #tpu.memory_space<vmem>> -> memref<128x64xf32, #tpu.memory_space<vmem>>
        tpu.enqueue_dma source(%dma_start3A_229 : memref<128x64xf32, #tpu.memory_space<vmem>>) target(%dma_start3A_225 : memref<128x64xf32, #tpu.memory_space<hbm>>) target_semaphore(%dma_start3A_223 : memref<!tpu.dma_semaphore, #tpu.memory_space<semaphore_mem>>)
      } else {
      }
    }
    %scan3A_7 = arith.constant 51 : i32
    %add3A_8 = arith.constant 196 : i32
    %add3A_9 = arith.addi %mul3A_2, %add3A_8 : i32
    %mul3A_10 = arith.constant 128 : i32
    %mul3A_11 = arith.muli %add3A_9, %mul3A_10 : i32
    %dma_wait3A = arith.constant 0 : i32
    %dma_wait3A_12 = arith.constant 0 : i32
    %dma_wait3A_13 = arith.constant 0 : i32
    %dma_wait3A_14 = arith.constant 0 : i32
    %dma_wait3A_15 = tpu.memref_slice %arg9[%dma_wait3A, %dma_wait3A_13, %dma_wait3A_14] : memref<4x128x64xf32, #tpu.memory_space<vmem>> -> memref<1x128x64xf32, #tpu.memory_space<vmem>>
    %dma_wait3A_16 = tpu.memref_squeeze %dma_wait3A_15 : memref<1x128x64xf32, #tpu.memory_space<vmem>> -> memref<128x64xf32, #tpu.memory_space<vmem>>
    %dma_wait3A_17 = arith.constant 0 : i32
    %dma_wait3A_18 = tpu.memref_slice %arg6[%mul3A_11, %dma_wait3A_17] : memref<819200x64xf32, #tpu.memory_space<hbm>> -> memref<128x64xf32, #tpu.memory_space<hbm>>
    %dma_wait3A_19 = tpu.memref_slice %arg13[%dma_wait3A_12] : memref<4x!tpu.dma_semaphore, #tpu.memory_space<semaphore_mem>> -> memref<1x!tpu.dma_semaphore, #tpu.memory_space<semaphore_mem>>
    %dma_wait3A_20 = tpu.memref_squeeze %dma_wait3A_19 : memref<1x!tpu.dma_semaphore, #tpu.memory_space<semaphore_mem>> -> memref<!tpu.dma_semaphore, #tpu.memory_space<semaphore_mem>>
    %dma_wait3A_21 = arith.constant 0 : i32
    %dma_wait3A_22 = tpu.memref_slice %arg6[%mul3A_11, %dma_wait3A_21] : memref<819200x64xf32, #tpu.memory_space<hbm>> -> memref<128x64xf32, #tpu.memory_space<hbm>>
    %dma_wait3A_23 = arith.constant 0 : i32
    %dma_wait3A_24 = arith.constant 0 : i32
    %dma_wait3A_25 = tpu.memref_slice %arg9[%dma_wait3A, %dma_wait3A_23, %dma_wait3A_24] : memref<4x128x64xf32, #tpu.memory_space<vmem>> -> memref<1x128x64xf32, #tpu.memory_space<vmem>>
    %dma_wait3A_26 = tpu.memref_squeeze %dma_wait3A_25 : memref<1x128x64xf32, #tpu.memory_space<vmem>> -> memref<128x64xf32, #tpu.memory_space<vmem>>
    tpu.wait_dma2 semaphore(%dma_wait3A_20 : memref<!tpu.dma_semaphore, #tpu.memory_space<semaphore_mem>>) src(%dma_wait3A_26 : memref<128x64xf32, #tpu.memory_space<vmem>>) dst(%dma_wait3A_22 : memref<128x64xf32, #tpu.memory_space<hbm>>)
    %add3A_27 = arith.constant 197 : i32
    %add3A_28 = arith.addi %mul3A_2, %add3A_27 : i32
    %mul3A_29 = arith.constant 128 : i32
    %mul3A_30 = arith.muli %add3A_28, %mul3A_29 : i32
    %dma_wait3A_31 = arith.constant 1 : i32
    %dma_wait3A_32 = arith.constant 1 : i32
    %dma_wait3A_33 = arith.constant 0 : i32
    %dma_wait3A_34 = arith.constant 0 : i32
    %dma_wait3A_35 = tpu.memref_slice %arg9[%dma_wait3A_31, %dma_wait3A_33, %dma_wait3A_34] : memref<4x128x64xf32, #tpu.memory_space<vmem>> -> memref<1x128x64xf32, #tpu.memory_space<vmem>>
    %dma_wait3A_36 = tpu.memref_squeeze %dma_wait3A_35 : memref<1x128x64xf32, #tpu.memory_space<vmem>> -> memref<128x64xf32, #tpu.memory_space<vmem>>
    %dma_wait3A_37 = arith.constant 0 : i32
    %dma_wait3A_38 = tpu.memref_slice %arg6[%mul3A_30, %dma_wait3A_37] : memref<819200x64xf32, #tpu.memory_space<hbm>> -> memref<128x64xf32, #tpu.memory_space<hbm>>
    %dma_wait3A_39 = tpu.memref_slice %arg13[%dma_wait3A_32] : memref<4x!tpu.dma_semaphore, #tpu.memory_space<semaphore_mem>> -> memref<1x!tpu.dma_semaphore, #tpu.memory_space<semaphore_mem>>
    %dma_wait3A_40 = tpu.memref_squeeze %dma_wait3A_39 : memref<1x!tpu.dma_semaphore, #tpu.memory_space<semaphore_mem>> -> memref<!tpu.dma_semaphore, #tpu.memory_space<semaphore_mem>>
    %dma_wait3A_41 = arith.constant 0 : i32
    %dma_wait3A_42 = tpu.memref_slice %arg6[%mul3A_30, %dma_wait3A_41] : memref<819200x64xf32, #tpu.memory_space<hbm>> -> memref<128x64xf32, #tpu.memory_space<hbm>>
    %dma_wait3A_43 = arith.constant 0 : i32
    %dma_wait3A_44 = arith.constant 0 : i32
    %dma_wait3A_45 = tpu.memref_slice %arg9[%dma_wait3A_31, %dma_wait3A_43, %dma_wait3A_44] : memref<4x128x64xf32, #tpu.memory_space<vmem>> -> memref<1x128x64xf32, #tpu.memory_space<vmem>>
    %dma_wait3A_46 = tpu.memref_squeeze %dma_wait3A_45 : memref<1x128x64xf32, #tpu.memory_space<vmem>> -> memref<128x64xf32, #tpu.memory_space<vmem>>
    tpu.wait_dma2 semaphore(%dma_wait3A_40 : memref<!tpu.dma_semaphore, #tpu.memory_space<semaphore_mem>>) src(%dma_wait3A_46 : memref<128x64xf32, #tpu.memory_space<vmem>>) dst(%dma_wait3A_42 : memref<128x64xf32, #tpu.memory_space<hbm>>)
    %add3A_47 = arith.constant 198 : i32
    %add3A_48 = arith.addi %mul3A_2, %add3A_47 : i32
    %mul3A_49 = arith.constant 128 : i32
    %mul3A_50 = arith.muli %add3A_48, %mul3A_49 : i32
    %dma_wait3A_51 = arith.constant 2 : i32
    %dma_wait3A_52 = arith.constant 2 : i32
    %dma_wait3A_53 = arith.constant 0 : i32
    %dma_wait3A_54 = arith.constant 0 : i32
    %dma_wait3A_55 = tpu.memref_slice %arg9[%dma_wait3A_51, %dma_wait3A_53, %dma_wait3A_54] : memref<4x128x64xf32, #tpu.memory_space<vmem>> -> memref<1x128x64xf32, #tpu.memory_space<vmem>>
    %dma_wait3A_56 = tpu.memref_squeeze %dma_wait3A_55 : memref<1x128x64xf32, #tpu.memory_space<vmem>> -> memref<128x64xf32, #tpu.memory_space<vmem>>
    %dma_wait3A_57 = arith.constant 0 : i32
    %dma_wait3A_58 = tpu.memref_slice %arg6[%mul3A_50, %dma_wait3A_57] : memref<819200x64xf32, #tpu.memory_space<hbm>> -> memref<128x64xf32, #tpu.memory_space<hbm>>
    %dma_wait3A_59 = tpu.memref_slice %arg13[%dma_wait3A_52] : memref<4x!tpu.dma_semaphore, #tpu.memory_space<semaphore_mem>> -> memref<1x!tpu.dma_semaphore, #tpu.memory_space<semaphore_mem>>
    %dma_wait3A_60 = tpu.memref_squeeze %dma_wait3A_59 : memref<1x!tpu.dma_semaphore, #tpu.memory_space<semaphore_mem>> -> memref<!tpu.dma_semaphore, #tpu.memory_space<semaphore_mem>>
    %dma_wait3A_61 = arith.constant 0 : i32
    %dma_wait3A_62 = tpu.memref_slice %arg6[%mul3A_50, %dma_wait3A_61] : memref<819200x64xf32, #tpu.memory_space<hbm>> -> memref<128x64xf32, #tpu.memory_space<hbm>>
    %dma_wait3A_63 = arith.constant 0 : i32
    %dma_wait3A_64 = arith.constant 0 : i32
    %dma_wait3A_65 = tpu.memref_slice %arg9[%dma_wait3A_51, %dma_wait3A_63, %dma_wait3A_64] : memref<4x128x64xf32, #tpu.memory_space<vmem>> -> memref<1x128x64xf32, #tpu.memory_space<vmem>>
    %dma_wait3A_66 = tpu.memref_squeeze %dma_wait3A_65 : memref<1x128x64xf32, #tpu.memory_space<vmem>> -> memref<128x64xf32, #tpu.memory_space<vmem>>
    tpu.wait_dma2 semaphore(%dma_wait3A_60 : memref<!tpu.dma_semaphore, #tpu.memory_space<semaphore_mem>>) src(%dma_wait3A_66 : memref<128x64xf32, #tpu.memory_space<vmem>>) dst(%dma_wait3A_62 : memref<128x64xf32, #tpu.memory_space<hbm>>)
    %add3A_67 = arith.constant 199 : i32
    %add3A_68 = arith.addi %mul3A_2, %add3A_67 : i32
    %mul3A_69 = arith.constant 128 : i32
    %mul3A_70 = arith.muli %add3A_68, %mul3A_69 : i32
    %dma_wait3A_71 = arith.constant 3 : i32
    %dma_wait3A_72 = arith.constant 3 : i32
    %dma_wait3A_73 = arith.constant 0 : i32
    %dma_wait3A_74 = arith.constant 0 : i32
    %dma_wait3A_75 = tpu.memref_slice %arg9[%dma_wait3A_71, %dma_wait3A_73, %dma_wait3A_74] : memref<4x128x64xf32, #tpu.memory_space<vmem>> -> memref<1x128x64xf32, #tpu.memory_space<vmem>>
    %dma_wait3A_76 = tpu.memref_squeeze %dma_wait3A_75 : memref<1x128x64xf32, #tpu.memory_space<vmem>> -> memref<128x64xf32, #tpu.memory_space<vmem>>
    %dma_wait3A_77 = arith.constant 0 : i32
    %dma_wait3A_78 = tpu.memref_slice %arg6[%mul3A_70, %dma_wait3A_77] : memref<819200x64xf32, #tpu.memory_space<hbm>> -> memref<128x64xf32, #tpu.memory_space<hbm>>
    %dma_wait3A_79 = tpu.memref_slice %arg13[%dma_wait3A_72] : memref<4x!tpu.dma_semaphore, #tpu.memory_space<semaphore_mem>> -> memref<1x!tpu.dma_semaphore, #tpu.memory_space<semaphore_mem>>
    %dma_wait3A_80 = tpu.memref_squeeze %dma_wait3A_79 : memref<1x!tpu.dma_semaphore, #tpu.memory_space<semaphore_mem>> -> memref<!tpu.dma_semaphore, #tpu.memory_space<semaphore_mem>>
    %dma_wait3A_81 = arith.constant 0 : i32
    %dma_wait3A_82 = tpu.memref_slice %arg6[%mul3A_70, %dma_wait3A_81] : memref<819200x64xf32, #tpu.memory_space<hbm>> -> memref<128x64xf32, #tpu.memory_space<hbm>>
    %dma_wait3A_83 = arith.constant 0 : i32
    %dma_wait3A_84 = arith.constant 0 : i32
    %dma_wait3A_85 = tpu.memref_slice %arg9[%dma_wait3A_71, %dma_wait3A_83, %dma_wait3A_84] : memref<4x128x64xf32, #tpu.memory_space<vmem>> -> memref<1x128x64xf32, #tpu.memory_space<vmem>>
    %dma_wait3A_86 = tpu.memref_squeeze %dma_wait3A_85 : memref<1x128x64xf32, #tpu.memory_space<vmem>> -> memref<128x64xf32, #tpu.memory_space<vmem>>
    tpu.wait_dma2 semaphore(%dma_wait3A_80 : memref<!tpu.dma_semaphore, #tpu.memory_space<semaphore_mem>>) src(%dma_wait3A_86 : memref<128x64xf32, #tpu.memory_space<vmem>>) dst(%dma_wait3A_82 : memref<128x64xf32, #tpu.memory_space<hbm>>)
    return
  }
}

</mosaic_0001>

<sc_bundles>
// kernel: kernel.3.cloned.1.call-start
scs
__scs_entry_jumppad:
0x0: {  	(pc) =	sbr.rel $0x88, $3  }
0x1: {  	(tag) =	ssettag $0x0;
	lr =	simm.s32 $0x1  }
0x2: {  	[smem:$0x3F9D] =	sst lr;
	_ =	strace $0xD0000000  }
0x3: {  	_ = 	snop  }
0x4: {  	_ = 	snop  }
0x5: {  	_ = 	snop  }
0x6: {  	_ = 	snop  }
0x7: {  	_ = 	snop  }
__scs_overlays_trampoline_lowered:
0x8: {  	[smem:$0x3FAC] =	sst s0  }
0x9: {  	[smem:$0x3FAD] =	sst s1  }
0xa: {  	[smem:$0x3FAE] =	sst s2  }
0xb: {  	[smem:$0x3FAF] =	sst s3  }
0xc: {  	[smem:$0x3FB0] =	sst s4  }
0xd: {  	[smem:$0x3FB1] =	sst s5  }
0xe: {  	[smem:$0x3FB2] =	sst s6  }
0xf: {  	[smem:$0x3FB3] =	sst s7  }
0x10: {  	[smem:$0x3FB4] =	sst s8  }
0x11: {  	[smem:$0x3FB5] =	sst s9;
	s0 =	simm.s32 @!p0 $0x0  }
0x12: {  	s1 =	sld [smem:$0x3F9B];
	s0 =	simm.s32 @p0 $0x1  }
0x13: {  	[smem:$0x3FB6] =	sst s0;
	s0 =	simm.s32 @!p1 $0x0  }
0x14: {  	s2 =	sld [smem:$0x3F9A];
	s0 =	simm.s32 @p1 $0x1  }
0x15: {  	[smem:$0x3FB7] =	sst s0;
	s0 =	simm.s32 @!p2 $0x0  }
0x16: {  	s3 =	sld [smem:$0x3FDB];
	s0 =	simm.s32 @p2 $0x1  }
0x17: {  	s4 =	simm.s32 $0x1BF5;
	[smem:$0x3FB9] =	sst s0  }
0x18: {  	s0 =	sld [smem:$0x3F9C];
	_ =	swait.ge [sflag:s4], $0x0  }
0x19: {  	s7 =	sld [smem:$0x3F9D]  }
0x1a: {  	s8 =	sadd.s32 $0xFFFFE003, lr  }
0x1b: {  	s9 =	sadd.s32 $0xFFFFFEF7, lr;
	s5 =	simm.s32 $0xFFFFFFFF;
	p2 =	slt.u32 s8, $0xFFFFF086  }
0x1c: {  	p1 =	slt.u32 s9, $0xF7A;
	s5 =	simm.s32 @!p2 $0x0  }
0x1d: {  	s5 =	simm.s32 @p1 $0x1;
	p0 =	seq.s32 s7, s2  }
0x1e: {  	s7 =	smul.u32 @!p0 $0xF7A, s2;
	p2 =	seq.s32 @!p0 s5, $0x0  }
0x1f: {  	s9 =	smul.u32 $0xF7A, s1;
	s8 =	simm.s32 @!p0 $0x1BF5;
	p2 =	por !p2, p0  }
0x20: {  	[sflag:s8] =	ssyncset.s32 @!p0 $0xFFFFF086;
	s6 =	sadd.s32 @!p0 s3, s7;
	s7 =	simm.s32 @!p0 $0x108  }
0x21: {  	s3 =	sadd.s32 s3, s9;
	s6 =	sadd.s32 @!p0 $0x88, s6;
	s7 =	simm.s32 @p2 $0x1082  }
0x22: {  	[simem:s7], [sflag:s8] =	dma.local @!p0 [hbm:s6], $0xF7A  }
0x23: {  	s9 =	sor.u32 $0xD0000000, s2;
	s6 =	simm.s32 $0x108;
	_ =	swait.ge @!p0 [sflag:s8], $0x0  }
0x24: {  	s3 =	sadd.s32 $0x88, s3;
	s6 =	simm.s32 @!p1 $0x1082;
	[sflag:s4] =	ssyncset.s32 $0xFFFFF086  }
0x25: {  	[simem:s6], [sflag:s4] =	dma.local [hbm:s3], $0xF7A  }
0x26: {  	[smem:$0x3F9D] =	sst s1;
	(tag) =	ssettag s2;
	_ =	strace s9  }
0x27: {  	s1 =	sld [smem:$0x3FAD]  }
0x28: {  	s2 =	sld [smem:$0x3FAE]  }
0x29: {  	s4 =	sld [smem:$0x3FB0]  }
0x2a: {  	p0 =	seq.s32 s5, $0x0;
	s5 =	sld [smem:$0x3FB1]  }
0x2b: {  	s6 =	sld [smem:$0x3FB2]  }
0x2c: {  	s7 =	sld [smem:$0x3FB3]  }
0x2d: {  	s3 =	simm.s32 $0x108;
	s8 =	sld [smem:$0x3FB4]  }
0x2e: {  	s3 =	simm.s32 @!p0 $0x1082;
	s9 =	sld [smem:$0x3FB5]  }
0x2f: {  	lr =	sadd.s32 s0, s3;
	s0 =	sld [smem:$0x3FAC]  }
0x30: {  	s3 =	sld [smem:$0x3FAF]  }
0x31: {  	[smem:$0x3FB8] =	sst s10  }
0x32: {  	s10 =	sld [smem:$0x3FB6];
	_ =	sdelay $0x3  }
0x33: {  	p0 =	seq.s32 s10, $0x1;
	s10 =	sld [smem:$0x3FB8];
	_ =	sdelay $0x3  }
0x34: {  	[smem:$0x3FB8] =	sst s10  }
0x35: {  	s10 =	sld [smem:$0x3FB7];
	_ =	sdelay $0x3  }
0x36: {  	p1 =	seq.s32 s10, $0x1;
	s10 =	sld [smem:$0x3FB8];
	_ =	sdelay $0x3  }
0x37: {  	[smem:$0x3FB8] =	sst s10  }
0x38: {  	s10 =	sld [smem:$0x3FB9]  }
0x39: {  	_ = 	snop;
	(pc) =	sbr.ind lr, $3  }
0x3a: {  	_ = 	snop  }
0x3b: {  	_ = 	snop  }
0x3c: {  	p2 =	seq.s32 s10, $0x1;
	s10 =	sld [smem:$0x3FB8]  }
0x3d: {  	_ =	shalt  }
0x3e: {  	_ =	shalt  }
0x3f: {  	_ =	shalt  }
0x40: {  	_ =	shalt  }
0x41: {  	_ =	shalt  }
0x42: {  	_ =	shalt  }
0x43: {  	_ =	shalt  }
0x44: {  	_ =	shalt  }
0x45: {  	_ =	shalt  }
0x46: {  	_ =	shalt  }
0x47: {  	_ =	shalt  }
0x48: {  	_ =	shalt  }
0x49: {  	_ =	shalt  }
0x4a: {  	_ =	shalt  }
0x4b: {  	_ =	shalt  }
0x4c: {  	_ =	shalt  }
0x4d: {  	_ =	shalt  }
0x4e: {  	_ =	shalt  }
0x4f: {  	_ =	shalt  }
0x50: {  	_ =	shalt  }
0x51: {  	_ =	shalt  }
0x52: {  	_ =	shalt  }
0x53: {  	_ =	shalt  }
0x54: {  	_ =	shalt  }
0x55: {  	_ =	shalt  }
0x56: {  	_ =	shalt  }
0x57: {  	_ =	shalt  }
0x58: {  	_ =	shalt  }
0x59: {  	_ =	shalt  }
0x5a: {  	_ =	shalt  }
0x5b: {  	_ =	shalt  }
0x5c: {  	_ =	shalt  }
0x5d: {  	_ =	shalt  }
0x5e: {  	_ =	shalt  }
0x5f: {  	_ =	shalt  }
0x60: {  	_ =	shalt  }
0x61: {  	_ =	shalt  }
0x62: {  	_ =	shalt  }
0x63: {  	_ =	shalt  }
0x64: {  	_ =	shalt  }
0x65: {  	_ =	shalt  }
0x66: {  	_ =	shalt  }
0x67: {  	_ =	shalt  }
0x68: {  	_ =	shalt  }
0x69: {  	_ =	shalt  }
0x6a: {  	_ =	shalt  }
0x6b: {  	_ =	shalt  }
0x6c: {  	_ =	shalt  }
0x6d: {  	_ =	shalt  }
0x6e: {  	_ =	shalt  }
0x6f: {  	_ =	shalt  }
0x70: {  	_ =	shalt  }
0x71: {  	_ =	shalt  }
0x72: {  	_ =	shalt  }
0x73: {  	_ =	shalt  }
0x74: {  	_ =	shalt  }
0x75: {  	_ =	shalt  }
0x76: {  	_ =	shalt  }
0x77: {  	_ =	shalt  }
0x78: {  	_ =	shalt  }
0x79: {  	_ =	shalt  }
0x7a: {  	_ =	shalt  }
0x7b: {  	_ =	shalt  }
0x7c: {  	_ =	shalt  }
0x7d: {  	_ =	shalt  }
0x7e: {  	_ =	shalt  }
0x7f: {  	_ =	shalt  }
0x80: {  	_ =	shalt  }
0x81: {  	_ =	shalt  }
0x82: {  	_ =	shalt  }
0x83: {  	_ =	shalt  }
0x84: {  	_ =	shalt  }
0x85: {  	_ =	shalt  }
0x86: {  	_ =	shalt  }
0x87: {  	_ =	shalt  }
.Lfunc_end0:
.L_simem_size_0:
called_computation.1_lowered:
.L_overlay_start_0:
0x88: {  	s2 =	sld [smem:$0x3FD9]  }
0x89: {  	s3 =	sld [smem:$0x3FFE];
	_ =	sdelay $0x1  }
0x8a: {  	s1 =	srdreg.scid  }
0x8b: {  	s0 =	sand.u32 $0x1, s1  }
0x8c: {  	s17 =	sshll.u32 s0, $0xA;
	s2 =	sadd.s32 s3, s2  }
0x8d: {  	s2 =	sadd.s32 s2, s17  }
0x8e: {  	[smem:$0x3FC4] =	sst s2  }
0x8f: {  	_ = 	snop  }
0x90: {  	s2 =	sld [smem:$0x3FD0];
	(tm) =	ssettm $0x1  }
0x91: {  	s18 =	sld [smem:$0x3FFB];
	_ =	sdelay $0x3  }
0x92: {  	_ =	strace s18  }
0x93: {  	s3 =	sld [smem:$0x3FFC];
	_ =	sdelay $0x3  }
0x94: {  	_ =	strace s3  }
0x95: {  	s3 =	sld [smem:$0x3FFD];
	_ =	sdelay $0x3  }
0x96: {  	_ =	strace s3  }
0x97: {  	_ =	strace $0x8FFFFFFF  }
0x98: {  	s19 =	sld [smem:$0x3FDB];
	_ =	sdelay $0x1  }
0x99: {  	s4 =	simm.s32 $_scs_section_size  }
0x9a: {  	s5 =	simm.s32 $_size__tile_overlayer_lowered;
	s6 =	simm.s32 $_tile_overlayer_lowered  }
0x9b: {  	s22 =	simm.s32 $0x1BFF;
	s21 =	sshll.u32 s6, $0x1;
	s3 =	sadd.s32 s4, s19  }
0x9c: {  	s7 =	simm.s32 $0x0;
	s20 =	sshll.u32 s5, $0x1;
	s5 =	sadd.s32 s21, s3  }
0x9d: {  	[timem:s7], [sflag:s22] =	dma.local [hbm:s5], s20  }
0x9e: {  	_ =	swait.ge [sflag:s22], s20  }
0x9f: {  	s4 =	ssub.s32 $0x0, s20;
	[sflag:s22] =	ssyncset.done $0x0  }
0xa0: {  	[sflag:s22] =	ssyncadd.s32 s4;
	_ =	sdelay $0x1  }
0xa1: {  	s23 =	simm.s32 $0x1B8B  }
0xa2: {  	_ =	swait.ge [sflag:s23], $0x1  }
0xa3: {  	[sflag:s23] =	ssyncset.done $0x0  }
0xa4: {  	s25 =	simm.s32 $0x1B8E;
	s24 =	sld [smem:$0x3FFE];
	[sflag:s23] =	ssyncadd.s32 $0xFFFFFFFF  }
0xa5: {  	s26 =	simm.s32 $execute0_lowered;
	[smem:$0x3FD2] =	sst s25  }
0xa6: {  	s5 =	sshll.u32 s26, $0x1;
	_ =	strace $0x80000046;
	[dreg:$0x1] =	wrdreg $0xFFFFFFFF  }
0xa7: {  	s28 =	simm.s32 $_size_execute0_lowered;
	s3 =	sadd.s32 s3, s5;
	[dreg:$0x0] =	wrdreg $0x0  }
0xa8: {  	s5 =	sshll.u32 s28, $0x1;
	[dreg:$0x2] =	wrdreg s3  }
0xa9: {  	[dreg:$0x3] =	wrdreg s5  }
0xaa: {  	[dreg:$0x4] =	wrdreg $0xC0  }
0xab: {  	_ =	task [dreg:s7], $0x5FFFF  }
0xac: {  	[dreg:$0x1] =	wrdreg $0xFFFFFFFF  }
0xad: {  	[dreg:$0x0] =	wrdreg $0x60  }
0xae: {  	[dreg:$0x2] =	wrdreg s24  }
0xaf: {  	[dreg:$0x3] =	wrdreg s2  }
0xb0: {  	[dreg:$0x4] =	wrdreg $0x148000  }
0xb1: {  	[dreg:$0x5] =	wrdreg $0x9  }
0xb2: {  	_ =	task.clear_ibuf [dreg:s7], $0x6FFFF;
	_ =	strace $0x90000046  }
0xb3: {  	s29 =	simm.s32 $0x9;
	_ =	strace $0x80000048  }
0xb4: {  	_ =	swait.ge [sflag:s29], $0x1  }
0xb5: {  	[sflag:s29] =	ssyncadd.s32 $0xFFFFFFFF  }
0xb6: {  	_ =	strace $0x90000048  }
0xb7: {  	_ =	sfence  }
0xb8: {  	s30 =	sld [smem:$0x0];
	_ =	sdelay $0x2  }
0xb9: {  	s31 =	sshll.u32 s1, $0xD;
	s1 =	sshrl.u32 s1, $0x2  }
0xba: {  	s3 =	sand.u32 $0x4000, s31;
	s1 =	sadd.s32 s1, s30  }
0xbb: {  	s0 =	sor.u32 s3, s0;
	s1 =	sshll.u32 s1, $0x11  }
0xbc: {  	s0 =	sor.u32 s1, s0  }
0xbd: {  	s0 =	sadd.s32 $0x8F2B, s0  }
0xbe: {  	[sflag:s0] =	ssyncadd.remote.s32 $0x1  }
0xbf: {  	_ =	sfence.sel $0xFFFF  }
0xc0: {  	[dreg:$0x0] =	wrdreg $0xFFFFFFFF;
	(pc) =	sbr.abs _section_cstart, $3  }
0xc1: {  	[dreg:$0x1] =	wrdreg $0xFFFFFFFF  }
0xc2: {  	_ =	task.clear_ibuf [dreg:s7], $0x2FFFF;
	_ =	strace $0x9FFFFFFF  }
0xc3: {  	(tm) =	ssettm $0x7FFFFFFF  }
tec
execute0_lowered:
.L_overlay_start_1:
0x0: {  	(tag) =	ssettag $0x1  }
0x1: {  	s0 =	rddreg [dreg:$0x0]  }
0x2: {  	s1 =	srdreg.scid;
	s2 =	rddreg [dreg:$0x1]  }
0x3: {  	s11 =	stileid.u32;
	s3 =	rddreg [dreg:$0x2];
	s12 =	simm.s32 $0xD  }
0x4: {  	s16 =	simm.s32 $0x4;
	s17 =	simm.s32 $0x80;
	s18 =	simm.s32 $0x12800  }
0x5: {  	s19 =	simm.s32 $0xA;
	s20 =	simm.s32 $0x8;
	s28 =	simm.s32 $0x5  }
0x6: {  	s29 =	simm.s32 $0xC800;
	s30 =	simm.s32 $0x3;
	s31 =	simm.s32 $0x6  }
0x7: {  	s1 =	sand.u32 $0x1, s1;
	s4 =	sshll.u32 s11, $0x1;
	s10 =	smul.u32 $0x64000, s11  }
0x8: {  	s25 =	sshll.u32 s11, $0x6;
	s26 =	sshrl.u32 s3, $0x3;
	s6 =	sor.u32 s1, s4  }
0x9: {  	s4 =	simm.s32 $0x0;
	s7 =	ssub.s32 $0x2, s1;
	s1 =	smul.u32 $0x32000, s1  }
0xa: {  	s5 =	smul.u32 $0xC80, s6;
	[smem:$0x7FF] =	sst s4;
	s9 =	sshrl.u32 s7, $0x1  }
0xb: {  	_ =	strace $0x80000047;
	s21 =	ssub.s32 s7, s9;
	s7 =	smul.u32 $0xC8, s6  }
0xc: {  	s24 =	sadd.s32 s1, s10;
	[dreg:$0xa] =	wrdreg s26;
	s8 =	sadd.s32 s5, s0  }
0xd: {  	s5 =	sadd.s32 $0xF43200, s0;
	s0 =	sadd.s32 $0x32E00, s0;
	[dreg:$0x8] =	wrdreg s24  }
0xe: {  	s26 =	simm.s32 $0xE800;
	[dreg:$0x4] =	wrdreg s0;
	s22 =	sadd.s32 $0x19E00, s8  }
.Ltmp0:
0xf: {  	s23 =	sadd.s32 $0xE00, s8;
	[dreg:$0x5] =	wrdreg s22;
	(pc) =	sbr.rel .LBB2_1-.Ltmp0, $4  }
0x10: {  	s1 =	simm.s32 $0x1;
	s0 =	smax.u32 s21, $0x1;
	[dreg:$0x6] =	wrdreg s23  }
0x11: {  	s24 =	simm.s32 $0x10800;
	s21 =	simm.s32 $0x9;
	[dreg:$0x7] =	wrdreg s0  }
0x12: {  	s0 =	sor.u32 $0x1C0D, s25;
	s22 =	simm.s32 $0xB;
	s23 =	simm.s32 $0xC  }
0x13: {  	s25 =	simm.s32 $0x2;
	[dreg:$0x9] =	wrdreg s0;
	s0 =	simm.s32 $0x0  }
.LBB2_16:
0x14: {  	_ =	swait.ge [sflag:s21], $0x2000  }
0x15: {  	[sflag:s21] =	ssyncset.done $0x0  }
0x16: {  	[sflag:s21] =	ssyncadd.s32 $0xFFFFE000  }
0x17: {  	_ =	swait.ge [sflag:s19], $0x2000  }
0x18: {  	[sflag:s19] =	ssyncset.done $0x0  }
0x19: {  	[sflag:s19] =	ssyncadd.s32 $0xFFFFE000  }
0x1a: {  	_ =	swait.ge [sflag:s22], $0x2000  }
0x1b: {  	[sflag:s22] =	ssyncset.done $0x0  }
0x1c: {  	[sflag:s22] =	ssyncadd.s32 $0xFFFFE000  }
0x1d: {  	_ =	swait.ge [sflag:s23], $0x2000  }
0x1e: {  	s0 =	sadd.s32 $0x1, s0;
	s6 =	rddreg [dreg:$0x7]  }
0x1f: {  	p0 =	sne.s32 s0, s6  }
.Ltmp1:
0x20: {  	_ = 	snop;
	(pc) =	sbr.rel @!p0 .LBB2_17-.Ltmp1, $3  }
0x21: {  	_ =	sdelay $0x1  }
0x22: {  	[sflag:s23] =	ssyncset.done $0x0  }
0x23: {  	[sflag:s23] =	ssyncadd.s32 $0xFFFFE000  }
.LBB2_1:
0x24: {  	s6 =	rddreg [dreg:$0x5]  }
0x25: {  	[tilespmem:s4], [sflag:$0xD] =	stream.linear.gather [hbm4b:s6+s4], $0x6400, $0x38;
	[tilespmem:$0x14AA0] =	vst v63  }
0x26: {  	_ =	swait.ge [sflag:s12], $0x6400  }
0x27: {  	[sflag:s12] =	ssyncset.done $0x0  }
0x28: {  	s8 =	simm.s32 $0x6400;
	s13 =	rddreg [dreg:$0x6];
	[sflag:s12] =	ssyncadd.s32 $0xFFFF9C00  }
0x29: {  	[tilespmem:s8], [sflag:$0xD] =	stream.linear.gather [hbm4b:s13+s4], $0x6400, $0x38;
	[tilespmem:$0x14AA0] =	vst v63  }
0x2a: {  	_ =	swait.ge [sflag:s12], $0x6400  }
0x2b: {  	s14 =	rddreg [dreg:$0x4]  }
0x2c: {  	[sflag:s12] =	ssyncset.done $0x0;
	s15 =	rddreg [dreg:$0x9]  }
.Ltmp2:
0x2d: {  	s9 =	rddreg [dreg:$0xa];
	[sflag:s12] =	ssyncadd.s32 $0xFFFF9C00;
	(pc) =	sbr.rel .LBB2_2-.Ltmp2, $4  }
0x2e: {  	[spmem:s9], [sflag:s15] =	dma.local [hbm:s14], $0x540  }
0x2f: {  	_ =	swait.ge [sflag:s12], $0x540  }
0x30: {  	s13 =	simm.s32 $0x1;
	s8 =	simm.s32 $0x0;
	[sflag:s12] =	ssyncset.done $0x0  }
0x31: {  	s9 =	simm.s32 $0x0;
	s11 =	rddreg [dreg:$0x8];
	[sflag:s12] =	ssyncadd.s32 $0xFFFFFAC0  }
.LBB2_14:
0x32: {  	p0 =	seq.s32 s8, $0x0  }
0x33: {  	s6 =	simm.s32 @!p0 $0xB  }
0x34: {  	_ =	swait.ge @!p0 [sflag:s6], $0x2000  }
0x35: {  	s14 =	sshra.s32 s8, $0x2;
	[sflag:s6] =	ssyncset.done @!p0 $0x0  }
0x36: {  	s15 =	sadd.s32 $0x100, s14;
	[sflag:s6] =	ssyncadd.s32 @!p0 $0xFFFFE000  }
0x37: {  	[tilespmem:s24], [sflag:$0x3] =	stream.indirect.gather [hbm4b:s5+s17], $0x40, s15, s17, $0xb8;
	[tilespmem:$0x14AA0] =	vst v63  }
0x38: {  	s15 =	sshll.u32 s10, $0x7;
	_ =	swait.ge [sflag:s25], $0x2000  }
0x39: {  	s6 =	sand.u32 $0x3FFFFF80, s15;
	[sflag:s25] =	ssyncset.done $0x0  }
0x3a: {  	s6 =	sadd.s32 $0x6400, s6;
	[sflag:s25] =	ssyncadd.s32 $0xFFFFE000  }
0x3b: {  	[tilespmem:s26], [sflag:$0x6] =	stream.indirect.gather.add.f32 [spmem:s3], $0x40, s6, s17, $0xb8;
	[tilespmem:$0x14AA0] =	vst v63  }
0x3c: {  	_ =	swait.ge [sflag:s28], $0x2000  }
0x3d: {  	[sflag:s28] =	ssyncset.done $0x0  }
0x3e: {  	s15 =	sadd.s32 s11, s2;
	s6 =	simm.s32 @!p0 $0xC;
	[sflag:s28] =	ssyncadd.s32 $0xFFFFE000  }
0x3f: {  	[hbm4b:s15+s4] =	stream.linear.scatter [tilespmem:s29], [sflag:$0x9], $0x2000, $0x38;
	[tilespmem:$0x14AA0] =	vst v63  }
0x40: {  	_ =	swait.ge @!p0 [sflag:s6], $0x2000  }
0x41: {  	[sflag:s6] =	ssyncset.done @!p0 $0x0  }
0x42: {  	s15 =	sadd.s32 $0x180, s14;
	[sflag:s6] =	ssyncadd.s32 @!p0 $0xFFFFE000  }
0x43: {  	[tilespmem:s18], [sflag:$0x4] =	stream.indirect.gather [hbm4b:s5+s17], $0x40, s15, s17, $0xb8;
	[tilespmem:$0x14AA0] =	vst v63  }
0x44: {  	_ =	swait.ge [sflag:s30], $0x2000  }
0x45: {  	[sflag:s30] =	ssyncset.done $0x0  }
0x46: {  	s14 =	sadd.s32 $0x6500, s14;
	s15 =	sadd.s32 s7, s10;
	[sflag:s30] =	ssyncadd.s32 $0xFFFFE000  }
0x47: {  	[tilespmem:s24], [sflag:$0x7] =	stream.indirect.gather.add.f32 [spmem:s3], $0x40, s14, s17, $0xb8;
	[tilespmem:$0x14AA0] =	vst v63  }
0x48: {  	s6 =	sshll.u32 s15, $0xA;
	_ =	swait.ge [sflag:s31], $0x2000  }
0x49: {  	s6 =	sand.u32 $0x1FFFF400, s6;
	[sflag:s31] =	ssyncset.done $0x0  }
0x4a: {  	s6 =	sadd.s32 s2, s6;
	[sflag:s31] =	ssyncadd.s32 $0xFFFFE000  }
0x4b: {  	[hbm4b:s6+s4] =	stream.linear.scatter [tilespmem:s26], [sflag:$0xA], $0x2000, $0x38;
	[tilespmem:$0x14AA0] =	vst v63  }
.LBB2_15:
0x4c: {  	s8 =	sadd.s32 $0x800, s8  }
0x4d: {  	p0 =	sne.s32 s8, $0x19800  }
.Ltmp3:
0x4e: {  	_ = 	snop;
	(pc) =	sbr.rel @!p0 .LBB2_16-.Ltmp3, $2  }
0x4f: {  	_ =	sdelay $0x2  }
0x50: {  	s9 =	sadd.s32 $0x1, s9;
	s11 =	sadd.s32 $0x1000, s11;
	s13 =	sadd.s32 $0x4, s13  }
.LBB2_2:
0x51: {  	p0 =	seq.s32 s9, $0x32  }
.Ltmp4:
0x52: {  	_ = 	snop;
	(pc) =	sbr.rel @p0 .LBB2_3-.Ltmp4, $1  }
0x53: {  	_ =	sdelay $0x3  }
0x54: {  	p0 =	sne.s32 s9, $0x0  }
.Ltmp5:
0x55: {  	_ = 	snop;
	(pc) =	sbr.rel @p0 .LBB2_7-.Ltmp5, $1  }
0x56: {  	_ =	sdelay $0x3  }
.Ltmp6:
0x57: {  	(pc) =	sbr.rel .LBB2_11-.Ltmp6, $3  }
0x58: {  	_ =	sdelay $0x1  }
0x59: {  	[tilespmem:s29], [sflag:$0x1] =	stream.indirect.gather [hbm4b:s5+s17], $0x40, s4, s17, $0xb8;
	[tilespmem:$0x14AA0] =	vst v63  }
0x5a: {  	s10 =	simm.s32 $0x1;
	p0 =	por $0x0, $0x0;
	s6 =	simm.s32 $0xFFFFFFFF  }
.LBB2_3:
.Ltmp7:
0x5b: {  	(pc) =	sbr.rel .LBB2_4-.Ltmp7, $2  }
0x5c: {  	_ =	sdelay $0x2  }
0x5d: {  	s6 =	simm.s32 $0xC7  }
.LBB2_7:
0x5e: {  	_ =	swait.ge [sflag:s21], $0x2000  }
0x5f: {  	[sflag:s21] =	ssyncset.done $0x0  }
0x60: {  	s6 =	sshra.s32 s8, $0x2;
	[sflag:s21] =	ssyncadd.s32 $0xFFFFE000  }
0x61: {  	[tilespmem:s29], [sflag:$0x1] =	stream.indirect.gather [hbm4b:s5+s17], $0x40, s6, s17, $0xb8;
	[tilespmem:$0x14AA0] =	vst v63  }
0x62: {  	s6 =	sadd.s32 $0xFFFFFFFE, s13  }
0x63: {  	p0 =	sgt.u32 s6, $0xC7  }
.Ltmp8:
0x64: {  	_ = 	snop;
	(pc) =	sbr.rel @p0 .LBB2_8-.Ltmp8, $1  }
0x65: {  	_ =	sdelay $0x3  }
.LBB2_4:
0x66: {  	_ =	swait.ge [sflag:s16], $0x2000;
	s10 =	sshll.u32 s6, $0x7  }
0x67: {  	s15 =	sadd.s32 $0xFFFFFFFD, s13;
	[sflag:s16] =	ssyncset.done $0x0;
	s10 =	sand.u32 $0x3FFFFF80, s10  }
0x68: {  	p1 =	sgt.u32 s15, $0xC7;
	[sflag:s16] =	ssyncadd.s32 $0xFFFFE000;
	s10 =	sadd.s32 $0x6400, s10  }
0x69: {  	[tilespmem:s18], [sflag:$0x8] =	stream.indirect.gather.add.f32 [spmem:s3], $0x40, s10, s17, $0xb8;
	[tilespmem:$0x14AA0] =	vst v63  }
0x6a: {  	s10 =	simm.s32 @!p1 $0x7  }
.Ltmp9:
0x6b: {  	p0 =	por $0x1, $0x1;
	_ =	swait.ge @!p1 [sflag:s10], $0x2000;
	(pc) =	sbr.rel .LBB2_9-.Ltmp9, $4  }
0x6c: {  	s14 =	sadd.s32 @!p1 $0xFFFFF800, s11;
	s15 =	simm.s32 @!p1 $0x10800;
	[sflag:s10] =	ssyncset.done @!p1 $0x0  }
0x6d: {  	p2 =	por @!p1 $0x1, $0x1;
	[sflag:s10] =	ssyncadd.s32 @!p1 $0xFFFFE000;
	s10 =	sand.u32 @!p1 $0x1FFFF800, s14  }
0x6e: {  	p0 =	por @!p1 p2, p2;
	s14 =	simm.s32 @!p1 $0x0;
	s10 =	sadd.s32 @!p1 s2, s10  }
0x6f: {  	[hbm4b:s10+s14] =	stream.linear.scatter @!p1 [tilespmem:s15], [sflag:$0xB], $0x2000, $0x38;
	[tilespmem:$0x14AA0] =	vst v63  }
.LBB2_8:
0x70: {  	p0 =	por $0x0, $0x0;
	s6 =	simm.s32 $0xFFFFFFFF  }
.LBB2_9:
0x71: {  	p1 =	seq.s32 s8, $0x19000  }
.Ltmp10:
0x72: {  	_ = 	snop;
	(pc) =	sbr.rel @!p1 .LBB2_10-.Ltmp10, $1  }
0x73: {  	_ =	sdelay $0x3  }
.Ltmp11:
0x74: {  	(pc) =	sbr.rel @p0 .LBB2_13-.Ltmp11, $4  }
.Ltmp12:
0x75: {  	(pc) =	sbr.rel @!p0 .LBB2_16-.Ltmp12, $4  }
0x76: {  	_ = 	snop  }
0x77: {  	_ = 	snop  }
0x78: {  	p1 =	por $0x1, $0x1;
	s10 =	smov.u32 s13  }
0x79: {  	_ = 	snop  }
.LBB2_10:
0x7a: {  	_ =	swait.ge [sflag:s19], $0x2000  }
0x7b: {  	[sflag:s19] =	ssyncset.done $0x0  }
0x7c: {  	s10 =	smov.u32 s13;
	[sflag:s19] =	ssyncadd.s32 $0xFFFFE000  }
.LBB2_11:
0x7d: {  	s14 =	sshll.u32 s10, $0x7  }
0x7e: {  	s14 =	sand.u32 $0x3FFFFF80, s14  }
0x7f: {  	[tilespmem:s26], [sflag:$0x2] =	stream.indirect.gather [hbm4b:s5+s17], $0x40, s14, s17, $0xb8;
	[tilespmem:$0x14AA0] =	vst v63  }
.Ltmp13:
0x80: {  	_ = 	snop;
	(pc) =	sbr.rel @!p0 .LBB2_14-.Ltmp13, $4  }
0x81: {  	_ =	swait.ge [sflag:s1], $0x2000  }
0x82: {  	s15 =	sshra.s32 s8, $0x2;
	[sflag:s1] =	ssyncset.done $0x0  }
0x83: {  	p1 =	por $0x0, $0x0;
	s14 =	sadd.s32 $0x6400, s15;
	[sflag:s1] =	ssyncadd.s32 $0xFFFFE000  }
0x84: {  	[tilespmem:s29], [sflag:$0x5] =	stream.indirect.gather.add.f32 [spmem:s3], $0x40, s14, s17, $0xb8;
	[tilespmem:$0x14AA0] =	vst v63  }
.LBB2_13:
.Ltmp14:
0x85: {  	s6 =	sadd.s32 s7, s6;
	(pc) =	sbr.rel @p1 .LBB2_15-.Ltmp14, $4  }
.Ltmp15:
0x86: {  	_ =	swait.ge [sflag:s20], $0x2000;
	s6 =	sshll.u32 s6, $0xA;
	(pc) =	sbr.rel @!p1 .LBB2_14-.Ltmp15, $4  }
0x87: {  	[sflag:s20] =	ssyncset.done $0x0;
	s6 =	sand.u32 $0x1FFFFC00, s6  }
0x88: {  	[sflag:s20] =	ssyncadd.s32 $0xFFFFE000;
	s6 =	sadd.s32 s2, s6  }
0x89: {  	[hbm4b:s6+s4] =	stream.linear.scatter [tilespmem:s18], [sflag:$0xC], $0x2000, $0x38;
	[tilespmem:$0x14AA0] =	vst v63  }
0x8a: {  	_ = 	snop  }
.LBB2_17:
0x8b: {  	_ =	sfence.sel $0x180000  }
0x8c: {  	[bflag:$0x0] =	sbarrier.arrive $0xFFFF  }
0x8d: {  	_ =	strace $0x90000047  }
0x8e: {  	s0 =	stileid.u32;
	[bflag:$0x2] =	sbarrier.arrive $0xFFFF  }
0x8f: {  	p0 =	sne.s32 s0, $0x0;
	s0 =	rddreg [dreg:$0x3]  }
0x90: {  	s0 =	sadd.s32 @!p0 $0x100000, s0  }
0x91: {  	[sflag:s0] =	ssyncadd.tile.s32 @!p0 $0x1;
	_ =	shalt  }
.Lfunc_end2:
_tile_overlayer_lowered:
.L_overlay_start_2:
0x92: {  	(tag) =	ssettag $0x2  }
0x93: {  	s0 =	rddreg [dreg:$0x0];
	s2 =	stileid.u32  }
0x94: {  	s1 =	rddreg [dreg:$0x1];
	p0 =	sne.s32 s2, $0x0  }
0x95: {  	s3 =	rddreg [dreg:$0x2];
	[bflag:$0x3] =	sbarrier.arrive $0xFFFF;
	s2 =	simm.s32 @!p0 $0x1C0D  }
0x96: {  	[timem:s3], [sflag:s2] =	dma.local @!p0 [hbm:s0], s1  }
0x97: {  	s0 =	simm.s32 @!p0 $0xD  }
0x98: {  	_ =	swait.ge @!p0 [sflag:s0], s1  }
0x99: {  	s1 =	ssub.s32 @!p0 $0x0, s1;
	[sflag:s0] =	ssyncset.done @!p0 $0x0  }
0x9a: {  	[sflag:s0] =	ssyncadd.s32 @!p0 s1  }
0x9b: {  	[bflag:$0x3] =	sbarrier.arrive $0xFFFF  }
0x9c: {  	_ =	shalt  }

// kernel: sparse-core-data-format-call.cloned.1.call-start
scs
called_computation_lowered:
.L_overlay_start_0:
0x0: {  	s2 =	sld [smem:$0x3FD9]  }
0x1: {  	s3 =	sld [smem:$0x3FFE];
	_ =	sdelay $0x1  }
0x2: {  	s1 =	srdreg.scid  }
0x3: {  	s0 =	sand.u32 $0x1, s1  }
0x4: {  	s18 =	sshll.u32 s0, $0xA;
	s2 =	sadd.s32 s3, s2  }
0x5: {  	s2 =	sadd.s32 s2, s18  }
0x6: {  	[smem:$0x3FC4] =	sst s2  }
0x7: {  	_ = 	snop  }
0x8: {  	s2 =	sld [smem:$0x3FD0];
	(tm) =	ssettm $0x1  }
0x9: {  	s19 =	sld [smem:$0x3FFB];
	_ =	sdelay $0x3  }
0xa: {  	_ =	strace s19  }
0xb: {  	s3 =	sld [smem:$0x3FFC];
	_ =	sdelay $0x3  }
0xc: {  	_ =	strace s3  }
0xd: {  	s3 =	sld [smem:$0x3FFD];
	_ =	sdelay $0x3  }
0xe: {  	_ =	strace s3  }
0xf: {  	_ =	strace $0x8FFFFFFF  }
0x10: {  	s20 =	sld [smem:$0x3FDB];
	_ =	sdelay $0x1  }
0x11: {  	s4 =	simm.s32 $_scs_section_size  }
0x12: {  	s5 =	simm.s32 $_size__tile_overlayer_lowered;
	s6 =	simm.s32 $_tile_overlayer_lowered  }
0x13: {  	s23 =	simm.s32 $0x1BFF;
	s22 =	sshll.u32 s6, $0x1;
	s3 =	sadd.s32 s4, s20  }
0x14: {  	s7 =	simm.s32 $0x0;
	s21 =	sshll.u32 s5, $0x1;
	s5 =	sadd.s32 s22, s3  }
0x15: {  	[timem:s7], [sflag:s23] =	dma.local [hbm:s5], s21  }
0x16: {  	_ =	swait.ge [sflag:s23], s21  }
0x17: {  	s4 =	ssub.s32 $0x0, s21;
	[sflag:s23] =	ssyncset.done $0x0  }
0x18: {  	[sflag:s23] =	ssyncadd.s32 s4;
	_ =	sdelay $0x1  }
0x19: {  	s24 =	simm.s32 $0x1B8B  }
0x1a: {  	_ =	swait.ge [sflag:s24], $0x1  }
0x1b: {  	[sflag:s24] =	ssyncset.done $0x0  }
0x1c: {  	s26 =	simm.s32 $0x1B8E;
	s25 =	sld [smem:$0x3FFE];
	[sflag:s24] =	ssyncadd.s32 $0xFFFFFFFF  }
0x1d: {  	s27 =	simm.s32 $execute0_lowered;
	[smem:$0x3FD2] =	sst s26  }
0x1e: {  	s5 =	sshll.u32 s27, $0x1;
	_ =	strace $0x80000049;
	[dreg:$0x1] =	wrdreg $0xFFFFFFFF  }
0x1f: {  	s28 =	simm.s32 $_size_execute0_lowered;
	s3 =	sadd.s32 s3, s5;
	[dreg:$0x0] =	wrdreg $0x0  }
0x20: {  	s5 =	sshll.u32 s28, $0x1;
	[dreg:$0x2] =	wrdreg s3  }
0x21: {  	[dreg:$0x3] =	wrdreg s5  }
0x22: {  	[dreg:$0x4] =	wrdreg $0xC0  }
0x23: {  	_ =	task [dreg:s7], $0x5FFFF  }
0x24: {  	[dreg:$0x1] =	wrdreg $0xFFFFFFFF  }
0x25: {  	[dreg:$0x0] =	wrdreg $0x60  }
0x26: {  	[dreg:$0x2] =	wrdreg s25  }
0x27: {  	[dreg:$0x3] =	wrdreg s2  }
0x28: {  	[dreg:$0x4] =	wrdreg $0x9  }
0x29: {  	_ =	task.clear_ibuf [dreg:s7], $0x5FFFF;
	_ =	strace $0x90000049  }
0x2a: {  	s29 =	simm.s32 $0x9;
	_ =	strace $0x8000004B  }
0x2b: {  	_ =	swait.ge [sflag:s29], $0x1  }
0x2c: {  	[sflag:s29] =	ssyncadd.s32 $0xFFFFFFFF  }
0x2d: {  	_ =	strace $0x9000004B  }
0x2e: {  	_ =	sfence  }
0x2f: {  	s30 =	sld [smem:$0x0];
	_ =	sdelay $0x2  }
0x30: {  	s31 =	sshll.u32 s1, $0xD;
	s1 =	sshrl.u32 s1, $0x2  }
0x31: {  	s3 =	sand.u32 $0x4000, s31;
	s1 =	sadd.s32 s1, s30  }
0x32: {  	s0 =	sor.u32 s3, s0;
	s1 =	sshll.u32 s1, $0x11  }
0x33: {  	s0 =	sor.u32 s1, s0  }
0x34: {  	s0 =	sadd.s32 $0x8F2B, s0  }
0x35: {  	[sflag:s0] =	ssyncadd.remote.s32 $0x1  }
0x36: {  	_ =	sfence.sel $0xFFFF  }
0x37: {  	[dreg:$0x0] =	wrdreg $0xFFFFFFFF;
	(pc) =	sbr.abs _section_cstart, $3  }
0x38: {  	[dreg:$0x1] =	wrdreg $0xFFFFFFFF  }
0x39: {  	_ =	task.clear_ibuf [dreg:s7], $0x2FFFF;
	_ =	strace $0x9FFFFFFF  }
0x3a: {  	(tm) =	ssettm $0x7FFFFFFF  }
0x3b: {  	_ =	shalt  }
tec
execute0_lowered:
.L_overlay_start_1:
0x0: {  	(tag) =	ssettag $0x1  }
0x1: {  	s0 =	srdreg.scid  }
0x2: {  	s1 =	sshll.u32 s0, $0x4  }
0x3: {  	s0 =	stileid.u32;
	s1 =	sand.u32 $0x10, s1  }
0x4: {  	s1 =	sor.u32 s0, s1  }
0x5: {  	s6 =	rddreg [dreg:$0x0];
	s4 =	simm.s32 $0x1;
	s2 =	sshll.u32 s1, $0x7  }
0x6: {  	s7 =	simm.s32 $0x2;
	s12 =	simm.s32 $0x0;
	s1 =	ssub.s32 $0x4000, s2  }
0x7: {  	s8 =	simm.s32 $0x20000;
	s13 =	simm.s32 $0x0;
	s3 =	sand.u32 $0xF80, s1  }
0x8: {  	s9 =	simm.s32 $0x0;
	s5 =	sshrl.u32 s1, $0xC;
	p0 =	sne.s32 s3, $0x0  }
.Ltmp0:
0x9: {  	s1 =	rddreg [dreg:$0x2];
	s4 =	simm.s32 @!p0 $0x0;
	(pc) =	sbr.rel .LBB1_1-.Ltmp0, $4  }
0xa: {  	s11 =	simm.s32 $0x0;
	s3 =	rddreg [dreg:$0x1];
	s5 =	sadd.s32 s4, s5  }
0xb: {  	_ =	strace $0x8000004A;
	s4 =	simm.s32 $0x1;
	s5 =	smul.u32 $0x32, s5  }
0xc: {  	s6 =	sadd.s32 $0xE00, s6;
	s10 =	smov.u32 s2;
	[sflag:s4] =	ssyncpa.u1 $0x0  }
0xd: {  	p0 =	por $0x0, $0x0;
	[sflag:s7] =	ssyncpa.u1 $0x0;
	s7 =	sor.u32 $0x1, s5  }
.LBB1_4:
0xe: {  	s16 =	sshll.u32 s13, $0x3;
	s17 =	sand.u32 $0x78, s13  }
0xf: {  	s30 =	sand.u32 $0x1F800, s13;
	s12 =	sshll.u32 s12, $0x11;
	s16 =	sand.u32 $0x3C00, s16  }
0x10: {  	[tilespmem:s15+$0x810 ss:$0x81] =	vst.msk $0xffff, v2;
	s31 =	sand.u32 $0x7, s13;
	s16 =	sor.u32 s17, s16;
	s17 =	sadd.s32 s3, s30  }
0x11: {  	[tilespmem:s15+$0x1020 ss:$0x81] =	vst.msk $0xffff, v0;
	s13 =	sshll.u32 s31, $0x12;
	s12 =	sadd.s32 s12, s17;
	s16 =	sshrl.u32 s16, $0x3  }
0x12: {  	[tilespmem:s15+$0x0 ss:$0x81] =	vst.msk $0xffff, v1;
	s13 =	sor.u32 $0x400, s13;
	s12 =	sadd.s32 s16, s12  }
0x13: {  	[hbm4b:s12+s13] =	stream.strided.scatter [tilespmem:s14], [sflag:$0x2], $0x2000, s8, s13, $0x20;
	[tilespmem:$0x8080] =	vst v63  }
.LBB1_5:
0x14: {  	s14 =	sadd.s32 $0x1, s9  }
0x15: {  	s12 =	sadd.s32 $0x1000, s10;
	s16 =	smov.u32 s10;
	p2 =	sgt.s32 s14, $0x31  }
0x16: {  	s16 =	smov.u32 @p2 s12  }
0x17: {  	s14 =	simm.s32 @p2 $0x0;
	p2 =	sgt.s32 s16, $0x3FFF  }
0x18: {  	s16 =	smov.u32 @p2 s2;
	p2 =	sne.s32 s11, s7  }
.Ltmp1:
0x19: {  	p1 =	slt.u32 s11, $0x2;
	(pc) =	sbr.rel @!p2 .LBB1_6-.Ltmp1, $4  }
0x1a: {  	s15 =	simm.s32 @!p1 $0x2  }
0x1b: {  	s13 =	smov.u32 s10;
	p0 =	por !p0, !p0;
	_ =	swait.ge @!p1 [sflag:s15], $0x2000  }
0x1c: {  	s12 =	smov.u32 s9;
	[sflag:s15] =	ssyncset.done @!p1 $0x0;
	s9 =	smov.u32 s14  }
0x1d: {  	s11 =	sadd.s32 $0x1, s11;
	[sflag:s15] =	ssyncadd.s32 @!p1 $0xFFFFE000;
	s10 =	smov.u32 s16  }
.LBB1_1:
0x1e: {  	p1 =	sge.u32 s11, s5  }
0x1f: {  	s14 =	sand.u32 @!p1 $0x1FFFFFF, s9  }
0x20: {  	s15 =	smulhi.u32 @!p1 $0x4924925, s14;
	_ =	sdelay $0x1  }
0x21: {  	s15 =	smul.u32 @!p1 $0x38, s15  }
0x22: {  	s16 =	sxor.u32 @!p1 $0xFFFFFFFF, s11;
	s17 =	smul.u32 @!p1 $0x380, s10  }
0x23: {  	s31 =	sadd.s32 $0xFFFFFFFF, s11;
	s16 =	sshll.u32 @!p1 s16, $0xD;
	s14 =	ssub.s32 @!p1 s14, s15  }
0x24: {  	s15 =	sand.u32 @!p1 $0x2000, s16;
	s16 =	sadd.s32 @!p1 s6, s17;
	s14 =	sshll.u32 @!p1 s14, $0x4  }
0x25: {  	s17 =	simm.s32 @!p1 $0x1C00;
	s14 =	sadd.s32 @!p1 s14, s16;
	s16 =	simm.s32 @!p1 $0x40  }
0x26: {  	[tilespmem:s15], [sflag:$0x1] =	stream.strided.gather @!p1 [hbm4b:s14+s16], $0x2000, s17, s16, $0x38;
	[tilespmem:$0x8080] =	vst v63  }
0x27: {  	p1 =	sge.u32 s31, s5  }
.Ltmp2:
0x28: {  	_ = 	snop;
	(pc) =	sbr.rel @p1 .LBB1_5-.Ltmp2, $1  }
0x29: {  	_ =	sdelay $0x3  }
0x2a: {  	s14 =	simm.s32 $0x1  }
0x2b: {  	_ =	swait.ge [sflag:s4], $0x2000;
	s14 =	simm.s32 @!p0 $0x0  }
0x2c: {  	[sflag:s4] =	ssyncset.done $0x0;
	s15 =	sshll.u32 s14, $0xD  }
0x2d: {  	[sflag:s4] =	ssyncadd.s32 $0xFFFFE000;
	s18 =	sor.u32 $0x20, s15  }
0x2e: {  	s14 =	smul.u32 $0x8100, s14;
	v3 =	vld [tilespmem:s18+$0x10]  }
0x2f: {  	s30 =	sand.u32 $0x1, s11;
	v2 =	vld [tilespmem:s18+$0xFFFFFFF0]  }
0x30: {  	s15 =	smul.u32 $0x8100, s30;
	s14 =	sshrl.u32 s14, $0x2;
	v0 =	vld [tilespmem:s18+$0x0]  }
0x31: {  	v1 =	vld [tilespmem:s18+$0xFFFFFFE0];
	s16 =	sor.u32 $0x4000, s14  }
0x32: {  	s31 =	sshrl.u32 s15, $0x2;
	s15 =	sadd.s32 $0x0, s16  }
0x33: {  	s17 =	simm.s32 $0x4;
	s18 =	sadd.s32 $0x40, s18;
	s14 =	sor.u32 $0x4000, s31;
	[tilespmem:s15+$0x1830 ss:$0x81] =	vst.msk $0xffff, v3  }
.LBB1_3:
0x34: {  	v3 =	vld [tilespmem:s18+$0x10];
	p1 =	sne.s32 s17, $0x1FC;
	[tilespmem:s15+$0x810 ss:$0x81] =	vst.msk $0xffff, v2;
	s19 =	smov.u32 s17;
	s17 =	sadd.s32 $0x4, s17  }
.Ltmp3:
0x35: {  	v2 =	vld [tilespmem:s18+$0xFFFFFFF0];
	[tilespmem:s15+$0x1020 ss:$0x81] =	vst.msk $0xffff, v0;
	(pc) =	sbr.rel @p1 .LBB1_3-.Ltmp3, $4  }
0x36: {  	v0 =	vld [tilespmem:s18+$0x0];
	[tilespmem:s15+$0x0 ss:$0x81] =	vst.msk $0xffff, v1  }
0x37: {  	s15 =	sshra.s32 s19, $0x2;
	v1 =	vld [tilespmem:s18+$0xFFFFFFE0]  }
0x38: {  	s15 =	sadd.s32 s15, s16  }
0x39: {  	s18 =	sadd.s32 $0x40, s18;
	[tilespmem:s15+$0x1830 ss:$0x81] =	vst.msk $0xffff, v3  }
.Ltmp4:
0x3a: {  	_ = 	snop;
	(pc) =	sbr.rel .LBB1_4-.Ltmp4, $1  }
0x3b: {  	_ =	sdelay $0x3  }
.LBB1_6:
0x3c: {  	_ =	sfence.sel $0x180000  }
0x3d: {  	s2 =	simm.s32 $0x1;
	[bflag:$0x0] =	sbarrier.arrive $0xFFFF  }
0x3e: {  	s31 =	simm.s32 $0x2;
	[sflag:s2] =	ssyncpa.u1 $0x1  }
0x3f: {  	[sflag:s31] =	ssyncpa.u1 $0x1  }
0x40: {  	p0 =	sne.s32 s0, $0x0;
	_ =	strace $0x9000004A  }
0x41: {  	s0 =	sadd.s32 @!p0 $0x100000, s1;
	[bflag:$0x2] =	sbarrier.arrive $0xFFFF  }
0x42: {  	[sflag:s0] =	ssyncadd.tile.s32 @!p0 $0x1;
	_ =	shalt  }
.Lfunc_end1:
_tile_overlayer_lowered:
.L_overlay_start_2:
0x43: {  	(tag) =	ssettag $0x2  }
0x44: {  	s0 =	rddreg [dreg:$0x0];
	s2 =	stileid.u32  }
0x45: {  	s1 =	rddreg [dreg:$0x1];
	p0 =	sne.s32 s2, $0x0  }
0x46: {  	s3 =	rddreg [dreg:$0x2];
	[bflag:$0x3] =	sbarrier.arrive $0xFFFF;
	s2 =	simm.s32 @!p0 $0x1C01  }
0x47: {  	[timem:s3], [sflag:s2] =	dma.local @!p0 [hbm:s0], s1  }
0x48: {  	s0 =	simm.s32 @!p0 $0x1  }
0x49: {  	_ =	swait.ge @!p0 [sflag:s0], s1  }
0x4a: {  	s1 =	ssub.s32 @!p0 $0x0, s1;
	[sflag:s0] =	ssyncset.done @!p0 $0x0  }
0x4b: {  	[sflag:s0] =	ssyncadd.s32 @!p0 s1  }
0x4c: {  	[bflag:$0x3] =	sbarrier.arrive $0xFFFF  }
0x4d: {  	_ =	shalt  }

</sc_bundles>
